<compile_context>
chip_gen: v7x
topology: tpu7x:2x2x1
jax: 0.10.2.dev20260603
libtpu: 0.0.44.dev20260713+nightly
codegen_flags: <defaults>
</compile_context>

<pallas_src>
import numpy as np
import jax
import jax.numpy as jnp
from jax import lax
from jax.experimental import pallas as pl
from jax.experimental.pallas import tpu as pltpu

_LS, _BS, _ND, _NP, _MD = 2, 128, 64, 2048, 16
_NH = _NP // 2
_KT = 256

_KEYS = ((1832780943, 270669613), (64467757, 2916123636))
_TINY = float(np.finfo(np.float32).tiny)
_BT = 16
_HI = lax.Precision.HIGHEST


def _quad_body(y_in_ref, w_ref, yobs_ref, isig_ref, ld_ref, wsum_ref, nwp_ref):
    w = w_ref[...]
    logw = jnp.log(w)
    w_sum = wsum_ref[...]
    yo = yobs_ref[...]
    inn = [yo[:, j:j + 1] - (y_in_ref[:, j, :] * logw) / w_sum
           for j in range(16)]
    quad = jnp.zeros((_BS, _KT), jnp.float32)
    for n in range(16):
        t2 = isig_ref[:, n:n + 1] * inn[0]
        for m in range(1, 16):
            t2 = t2 + isig_ref[:, m * 16 + n:m * 16 + n + 1] * inn[m]
        quad = quad + inn[n] * t2
    nwp_ref[...] = logw + (-0.5 * ld_ref[...] - 0.5 * quad)


def _norm_body(nwp_ref, wout_ref, logsoft_ref, cond_ref):
    nwp = nwp_ref[...]
    shift = jnp.max(nwp)
    sh = nwp - shift
    s0 = jnp.sum(jnp.exp(sh), axis=0, keepdims=True)
    nw = jnp.exp(sh - jnp.log(s0))
    conds = []
    for h in (0, 1):
        sl = slice(h * _NH, (h + 1) * _NH)
        wh = nw[:, sl]
        soft = 0.5 * wh + (0.5 / _NH)
        logsoft_ref[:, sl] = jnp.log(soft)
        wr = wh / soft
        logwr = jnp.log(wr)
        s = jnp.sum(jnp.exp(logwr), axis=-1, keepdims=True)
        w_res = jnp.exp(logwr - jnp.log(s))
        neff = 1.0 / jnp.sum(wh * wh, axis=-1, keepdims=True)
        cond = neff < (_NP / 4.0)
        wout_ref[:, sl] = jnp.where(cond, w_res, wh)
        conds.append(cond.astype(jnp.int32).T)
    cond_ref[...] = jnp.concatenate(conds, axis=0)


def _tf_rounds(x0, x1, rots):
    for rr in rots:
        x0 = x0 + x1
        x1 = (x1 << np.uint32(rr)) | (x1 >> np.uint32(32 - rr))
        x1 = x0 ^ x1
    return x0, x1


def _sample_body(cond_ref, logsoft_ref, uhi_ref, out_ref):
    b = pl.program_id(0)
    A = jnp.reshape(uhi_ref[...], (_LS * _ND, _NP))
    i_iota = lax.broadcasted_iota(jnp.int32, (_NH, _NH), 0)
    k_iota = lax.broadcasted_iota(jnp.int32, (_NH, _NH), 1)
    cnt = (i_iota * (_BS * _NH) + k_iota + b * _NH).astype(jnp.uint32)
    rot0, rot1 = (13, 15, 26, 6), (17, 29, 16, 24)
    for h in (0, 1):
        ks0, ks1 = _KEYS[h]
        ks2 = (ks0 ^ ks1 ^ 0x1BD11BDA) & 0xFFFFFFFF
        x0 = jnp.full((_NH, _NH), np.uint32(ks0), jnp.uint32)
        x1 = cnt + np.uint32(ks1)
        x0, x1 = _tf_rounds(x0, x1, rot0)
        x0 = x0 + np.uint32(ks1); x1 = x1 + np.uint32((ks2 + 1) & 0xFFFFFFFF)
        x0, x1 = _tf_rounds(x0, x1, rot1)
        x0 = x0 + np.uint32(ks2); x1 = x1 + np.uint32((ks0 + 2) & 0xFFFFFFFF)
        x0, x1 = _tf_rounds(x0, x1, rot0)
        x0 = x0 + np.uint32(ks0); x1 = x1 + np.uint32((ks1 + 3) & 0xFFFFFFFF)
        x0, x1 = _tf_rounds(x0, x1, rot1)
        x0 = x0 + np.uint32(ks1); x1 = x1 + np.uint32((ks2 + 4) & 0xFFFFFFFF)
        x0, x1 = _tf_rounds(x0, x1, rot0)
        x0 = x0 + np.uint32(ks2); x1 = x1 + np.uint32((ks0 + 5) & 0xFFFFFFFF)
        bits = x0 ^ x1
        fb = (bits >> np.uint32(9)) | np.uint32(0x3F800000)
        f = lax.bitcast_convert_type(fb, jnp.float32) - 1.0
        u = jnp.maximum(f * (np.float32(1.0) - np.float32(_TINY)) + np.float32(_TINY),
                        np.float32(_TINY))
        val = -jnp.log(-jnp.log(u)) + logsoft_ref[0, 0:1, h * _NH:(h + 1) * _NH]
        m = jnp.max(val, axis=1, keepdims=True)
        idx = jnp.min(jnp.where(val == m, k_iota, _NH), axis=1, keepdims=True)
        c = cond_ref[h, b]
        idx = jnp.where(c > 0, idx, i_iota[:, 0:1])
        onehot = (k_iota == idx).astype(jnp.float32)
        Ah = A[:, h * _NH:(h + 1) * _NH]
        p = lax.dot_general(Ah, onehot, (((1,), (1,)), ((), ())),
                            preferred_element_type=jnp.float32, precision=_HI)
        out_ref[:, 0, :, h * _NH:(h + 1) * _NH] = jnp.reshape(p, (_LS, _ND, _NH))


def _make_calls(interpret=False):
    quad = pl.pallas_call(
        _quad_body,
        grid=(_NP // _KT,),
        in_specs=[
            pl.BlockSpec((_BS, _MD, _KT), lambda i: (0, 0, i)),
            pl.BlockSpec((_BS, _KT), lambda i: (0, i)),
            pl.BlockSpec((_BS, _MD), lambda i: (0, 0)),
            pl.BlockSpec((_BS, 256), lambda i: (0, 0)),
            pl.BlockSpec((_BS, 1), lambda i: (0, 0)),
            pl.BlockSpec((_BS, 1), lambda i: (0, 0)),
        ],
        out_specs=pl.BlockSpec((_BS, _KT), lambda i: (0, i)),
        out_shape=jax.ShapeDtypeStruct((_BS, _NP), jnp.float32),
        interpret=interpret,
    )
    norm = pl.pallas_call(
        _norm_body,
        out_shape=(
            jax.ShapeDtypeStruct((_BS, _NP), jnp.float32),
            jax.ShapeDtypeStruct((_BS, _NP), jnp.float32),
            jax.ShapeDtypeStruct((2, _BS), jnp.int32),
        ),
        interpret=interpret,
    )
    sample = pl.pallas_call(
        _sample_body,
        grid=(_BS,),
        in_specs=[
            pl.BlockSpec(memory_space=pltpu.SMEM),
            pl.BlockSpec((1, 1, _NP), lambda b: (b, 0, 0)),
            pl.BlockSpec((_LS, 1, _ND, _NP), lambda b: (0, b, 0, 0)),
        ],
        out_specs=pl.BlockSpec((_LS, 1, _ND, _NP), lambda b: (0, b, 0, 0)),
        out_shape=jax.ShapeDtypeStruct((_LS, _BS, _ND, _NP), jnp.float32),
        interpret=interpret,
    )
    return quad, norm, sample


def _kernel_impl(uhi, w, y, H_w, r, interpret=False):
    quad, norm, sample = _make_calls(interpret)
    Y = jnp.einsum('mn,bnk->bmk', H_w, uhi[-1])
    logw = jnp.log(w)
    w_sum = jnp.sum(logw, axis=-1)
    W_mu = jnp.einsum('bmk,bk->bm', Y, logw) / w_sum[:, None]
    centered = Y - W_mu[:, :, None]
    cov = jnp.matmul(centered, jnp.swapaxes(centered, 1, 2)) / (_NP - 1)
    cov = cov + jnp.eye(_MD, dtype=Y.dtype)[None] * jnp.square(r[0])
    sig = cov + 1e-6 * jnp.eye(_MD, dtype=Y.dtype)[None]
    L = jnp.linalg.cholesky(sig)
    inv_sig = jnp.linalg.inv(jnp.swapaxes(L, -2, -1)) @ jnp.linalg.inv(L)
    log_det = 2.0 * jnp.sum(jnp.log(jnp.diagonal(L, axis1=-2, axis2=-1)), axis=-1)
    W_mu2 = Y * logw[:, None, :] / w_sum[:, None, None]
    innov = y[:, :, None] - W_mu2
    quad_v = jnp.einsum('bmi,bmn,bni->bi', innov, inv_sig, innov)
    l = -0.5 * log_det[:, None] - 0.5 * quad_v
    new_w = logw + l + 1e-300
    shift = jax.lax.stop_gradient(jnp.max(new_w))
    shifted = new_w - shift
    new_w = jnp.exp(shifted - jnp.log(jnp.sum(jnp.exp(shifted), axis=0)))
    wouts, lsofts, conds = [], [], []
    for h in (0, 1):
        wh = new_w[:, h * _NH:(h + 1) * _NH]
        soft = 0.5 * wh + (1.0 - 0.5) / _NH
        lsofts.append(jnp.log(soft))
        wr = wh / soft
        logwr = jnp.log(wr)
        logwr = logwr - jnp.log(jnp.sum(jnp.exp(logwr), axis=-1, keepdims=True))
        w_res = jnp.exp(logwr)
        neff = 1.0 / jnp.sum(jnp.square(wh), axis=-1)
        cond = neff < (_NP / 4.0)
        wouts.append(jnp.where(cond[:, None], w_res, wh))
        conds.append(cond.astype(jnp.int32)[None, :])
    w_out = jnp.concatenate(wouts, axis=1)
    logsoft = jnp.concatenate(lsofts, axis=1)
    cond = jnp.concatenate(conds, axis=0)
    new_uhi = sample(cond, logsoft.reshape(_BS, 1, _NP), uhi)
    return new_uhi, w_out


def kernel(uhi, w, y, H_w, r):
    return _kernel_impl(uhi, w, y, H_w, r)

# --- scband reference (transcript-rebuilt; emitter-appended) ---
"""Pipeline reference for scband-pf-lstm-54614804136127 (READ-ONLY COPY).

The authoritative reference and input builder live on the scoring server;
editing this copy changes nothing except your own understanding.
"""

import jax, jax.numpy as jnp
import numpy as np

LS, BS, N_DIM, N_PART, M_DIM = 2, 128, 64, 2048, 16


def setup_inputs(seed: int = 0):
    key = jax.random.key(seed)
    k1, k2, k3, k4 = jax.random.split(key, 4)
    uhi = jax.random.normal(k1, (LS, BS, N_DIM, N_PART), dtype=jnp.float32)
    w = jax.random.uniform(k2, (BS, N_PART), dtype=jnp.float32, minval=0.01, maxval=1.0)
    w = w / jnp.sum(w, axis=-1, keepdims=True)
    y = jax.random.normal(k3, (BS, M_DIM), dtype=jnp.float32)
    H_w = jax.random.normal(k4, (M_DIM, N_DIM), dtype=jnp.float32) * 0.1
    r = jnp.array([0.5], dtype=jnp.float32)
    return {"uhi": uhi, "w": w, "y": y, "H_w": H_w, "r": r}


def _soft_resample_half(p_half, w_half, key):
    # p_half: [ls, bs, n, Nh], w_half: [bs, Nh]
    Nh = w_half.shape[-1]
    bs = w_half.shape[0]
    a = 0.5
    soft = a * w_half + (1.0 - a) / Nh
    idx = jax.random.categorical(key, jnp.log(soft), shape=(Nh, bs)).T  # [bs, Nh]
    p_res = jnp.take_along_axis(p_half, idx[None, :, None, :], axis=3)
    wr = w_half / soft
    logwr = jnp.log(wr)
    logwr = logwr - jnp.log(jnp.sum(jnp.exp(logwr), axis=-1, keepdims=True))
    return p_res, jnp.exp(logwr)


def _pf_update(uhi, w, y, H_w, r):
    ls, bs, n, N = uhi.shape
    m = H_w.shape[0]
    middle = N // 2
    # obs_pred: linear measurement model applied to last-layer particles -> [bs, m, N]
    Y = jnp.einsum('mn,bnk->bmk', H_w, uhi[-1])
    logw = jnp.log(w)
    # Estimate (torch_PF passes log-weights here, replicated faithfully)
    w_sum = jnp.sum(logw, axis=-1)  # [bs]
    W_mu = jnp.einsum('bmk,bk->bm', Y, logw) / w_sum[:, None]
    centered = Y - W_mu[:, :, None]
    cov = jnp.matmul(centered, jnp.swapaxes(centered, 1, 2)) / (N - 1)
    cov = cov + jnp.eye(m, dtype=Y.dtype)[None] * jnp.square(r[0])
    # w_likelihood
    sig = cov + 1e-6 * jnp.eye(m, dtype=Y.dtype)[None]
    L = jnp.linalg.cholesky(sig)
    inv_sig = jnp.linalg.inv(jnp.swapaxes(L, -2, -1)) @ jnp.linalg.inv(L)
    log_det = 2.0 * jnp.sum(jnp.log(jnp.diagonal(L, axis1=-2, axis2=-1)), axis=-1)  # [bs]
    W_mu2 = Y * logw[:, None, :] / w_sum[:, None, None]  # [bs, m, N]
    innov = y[:, :, None] - W_mu2
    quad = jnp.einsum('bmi,bmn,bni->bi', innov, inv_sig, innov)
    l = -0.5 * log_det[:, None] - 0.5 * quad
    new_w = logw + l + 1e-300
    # torch: new_w -= torch.log(sum(torch.exp(new_w))) -> python sum over dim 0 (batch)
    shift = jax.lax.stop_gradient(jnp.max(new_w))  # global constant, cancels exactly
    shifted = new_w - shift
    new_w = jnp.exp(shifted - jnp.log(jnp.sum(jnp.exp(shifted), axis=0)))
    # per-half soft resampling where neff < N/4
    key = jax.random.key(42)
    k1h, k2h = jax.random.split(key)
    outs, wouts = [], []
    for sl, kk in ((slice(0, middle), k1h), (slice(middle, N), k2h)):
        ph = uhi[:, :, :, sl]
        wh = new_w[:, sl]
        p_res, w_res = _soft_resample_half(ph, wh, kk)
        neff = 1.0 / jnp.sum(jnp.square(wh), axis=-1)  # [bs]
        cond = neff < (N / 4.0)
        outs.append(jnp.where(cond[None, :, None, None], p_res, ph))
        wouts.append(jnp.where(cond[:, None], w_res, wh))
    new_uhi = jnp.concatenate(outs, axis=3)
    new_w_final = jnp.concatenate(wouts, axis=1)
    return new_uhi, new_w_final


def reference(uhi, w, y, H_w, r):
    return _pf_update(uhi, w, y, H_w, r)

if __name__ == "__main__":
    import jax
    _d = setup_inputs()
    print(jax.jit(kernel)(*tuple(_d.values())))

</pallas_src>

<mosaic_0001>
module attributes {stable_mosaic.version = 14 : i64} {
  func.func @_sample_body(%arg0: i32, %arg1: memref<2x128xi32, #tpu.memory_space<smem>>, %arg2: memref<1x1x2048xf32, #tpu.memory_space<vmem>>, %arg3: memref<2x1x64x2048xf32, #tpu.memory_space<vmem>>, %arg4: memref<2x1x64x2048xf32, #tpu.memory_space<vmem>>) attributes {dimension_semantics = [#tpu.dimension_semantics<arbitrary>], iteration_bounds = array<i64: 128>, scalar_prefetch = 0 : i64, scratch_operands = 0 : i64, tpu.core_type = #tpu.core_type<tc>, window_params = [{transform_indices = @transform_0, window_bounds = array<i64: 2, 128>}, {transform_indices = @transform_1, window_bounds = array<i64: 1, 1, 2048>}, {transform_indices = @transform_2, window_bounds = array<i64: 2, 1, 64, 2048>}, {transform_indices = @transform_3, window_bounds = array<i64: 2, 1, 64, 2048>}]} {
    %get3A = arith.constant 0 : index
    %get3A_0 = arith.constant 0 : index
    %get3A_1 = arith.constant 0 : index
    %get3A_2 = arith.constant 0 : index
    %get3A_3 = vector.load %arg3[%get3A, %get3A_0, %get3A_1, %get3A_2] : memref<2x1x64x2048xf32, #tpu.memory_space<vmem>>, vector<2x1x64x2048xf32>
    %reshape3A = vector.shape_cast %get3A_3 : vector<2x1x64x2048xf32> to vector<128x2048xf32>
    %iota3A = tpu.iota {dimensions = array<i32: 0>} : vector<1024x1024xi32>
    %iota3A_4 = tpu.iota {dimensions = array<i32: 1>} : vector<1024x1024xi32>
    %mul3A = arith.constant 131072 : i32
    %mul3A_5 = vector.broadcast %mul3A : i32 to vector<1024x1024xi32>
    %mul3A_6 = arith.muli %iota3A, %mul3A_5 : vector<1024x1024xi32>
    %add3A = arith.addi %mul3A_6, %iota3A_4 : vector<1024x1024xi32>
    %mul3A_7 = arith.constant 1024 : i32
    %mul3A_8 = arith.muli %arg0, %mul3A_7 : i32
    %add3A_9 = vector.broadcast %mul3A_8 : i32 to vector<1024x1024xi32>
    %add3A_10 = arith.addi %add3A, %add3A_9 : vector<1024x1024xi32>
    %broadcast_in_dim3A = arith.constant 1832780943 : i32
    %broadcast_in_dim3A_11 = vector.broadcast %broadcast_in_dim3A : i32 to vector<1024x1024xi32>
    %add3A_12 = arith.constant 270669613 : i32
    %add3A_13 = vector.broadcast %add3A_12 : i32 to vector<1024x1024xi32>
    %add3A_14 = arith.addi %add3A_10, %add3A_13 : vector<1024x1024xi32>
    %add3A_15 = arith.addi %broadcast_in_dim3A_11, %add3A_14 : vector<1024x1024xi32>
    %shift_left3A = arith.constant 13 : i32
    %shift_left3A_16 = vector.broadcast %shift_left3A : i32 to vector<1024x1024xi32>
    %shift_left3A_17 = arith.shli %add3A_14, %shift_left3A_16 : vector<1024x1024xi32>
    %shift_right_logical3A = arith.constant 19 : i32
    %shift_right_logical3A_18 = vector.broadcast %shift_right_logical3A : i32 to vector<1024x1024xi32>
    %shift_right_logical3A_19 = arith.shrui %add3A_14, %shift_right_logical3A_18 : vector<1024x1024xi32>
    %or3A = arith.ori %shift_left3A_17, %shift_right_logical3A_19 : vector<1024x1024xi32>
    %xor3A = arith.xori %add3A_15, %or3A : vector<1024x1024xi32>
    %add3A_20 = arith.addi %add3A_15, %xor3A : vector<1024x1024xi32>
    %shift_left3A_21 = arith.constant 15 : i32
    %shift_left3A_22 = vector.broadcast %shift_left3A_21 : i32 to vector<1024x1024xi32>
    %shift_left3A_23 = arith.shli %xor3A, %shift_left3A_22 : vector<1024x1024xi32>
    %shift_right_logical3A_24 = arith.constant 17 : i32
    %shift_right_logical3A_25 = vector.broadcast %shift_right_logical3A_24 : i32 to vector<1024x1024xi32>
    %shift_right_logical3A_26 = arith.shrui %xor3A, %shift_right_logical3A_25 : vector<1024x1024xi32>
    %or3A_27 = arith.ori %shift_left3A_23, %shift_right_logical3A_26 : vector<1024x1024xi32>
    %xor3A_28 = arith.xori %add3A_20, %or3A_27 : vector<1024x1024xi32>
    %add3A_29 = arith.addi %add3A_20, %xor3A_28 : vector<1024x1024xi32>
    %shift_left3A_30 = arith.constant 26 : i32
    %shift_left3A_31 = vector.broadcast %shift_left3A_30 : i32 to vector<1024x1024xi32>
    %shift_left3A_32 = arith.shli %xor3A_28, %shift_left3A_31 : vector<1024x1024xi32>
    %shift_right_logical3A_33 = arith.constant 6 : i32
    %shift_right_logical3A_34 = vector.broadcast %shift_right_logical3A_33 : i32 to vector<1024x1024xi32>
    %shift_right_logical3A_35 = arith.shrui %xor3A_28, %shift_right_logical3A_34 : vector<1024x1024xi32>
    %or3A_36 = arith.ori %shift_left3A_32, %shift_right_logical3A_35 : vector<1024x1024xi32>
    %xor3A_37 = arith.xori %add3A_29, %or3A_36 : vector<1024x1024xi32>
    %add3A_38 = arith.addi %add3A_29, %xor3A_37 : vector<1024x1024xi32>
    %shift_left3A_39 = arith.constant 6 : i32
    %shift_left3A_40 = vector.broadcast %shift_left3A_39 : i32 to vector<1024x1024xi32>
    %shift_left3A_41 = arith.shli %xor3A_37, %shift_left3A_40 : vector<1024x1024xi32>
    %shift_right_logical3A_42 = arith.constant 26 : i32
    %shift_right_logical3A_43 = vector.broadcast %shift_right_logical3A_42 : i32 to vector<1024x1024xi32>
    %shift_right_logical3A_44 = arith.shrui %xor3A_37, %shift_right_logical3A_43 : vector<1024x1024xi32>
    %or3A_45 = arith.ori %shift_left3A_41, %shift_right_logical3A_44 : vector<1024x1024xi32>
    %xor3A_46 = arith.xori %add3A_38, %or3A_45 : vector<1024x1024xi32>
    %add3A_47 = arith.constant 270669613 : i32
    %add3A_48 = vector.broadcast %add3A_47 : i32 to vector<1024x1024xi32>
    %add3A_49 = arith.addi %add3A_38, %add3A_48 : vector<1024x1024xi32>
    %add3A_50 = arith.constant 1724713081 : i32
    %add3A_51 = vector.broadcast %add3A_50 : i32 to vector<1024x1024xi32>
    %add3A_52 = arith.addi %xor3A_46, %add3A_51 : vector<1024x1024xi32>
    %add3A_53 = arith.addi %add3A_49, %add3A_52 : vector<1024x1024xi32>
    %shift_left3A_54 = arith.constant 17 : i32
    %shift_left3A_55 = vector.broadcast %shift_left3A_54 : i32 to vector<1024x1024xi32>
    %shift_left3A_56 = arith.shli %add3A_52, %shift_left3A_55 : vector<1024x1024xi32>
    %shift_right_logical3A_57 = arith.constant 15 : i32
    %shift_right_logical3A_58 = vector.broadcast %shift_right_logical3A_57 : i32 to vector<1024x1024xi32>
    %shift_right_logical3A_59 = arith.shrui %add3A_52, %shift_right_logical3A_58 : vector<1024x1024xi32>
    %or3A_60 = arith.ori %shift_left3A_56, %shift_right_logical3A_59 : vector<1024x1024xi32>
    %xor3A_61 = arith.xori %add3A_53, %or3A_60 : vector<1024x1024xi32>
    %add3A_62 = arith.addi %add3A_53, %xor3A_61 : vector<1024x1024xi32>
    %shift_left3A_63 = arith.constant 29 : i32
    %shift_left3A_64 = vector.broadcast %shift_left3A_63 : i32 to vector<1024x1024xi32>
    %shift_left3A_65 = arith.shli %xor3A_61, %shift_left3A_64 : vector<1024x1024xi32>
    %shift_right_logical3A_66 = arith.constant 3 : i32
    %shift_right_logical3A_67 = vector.broadcast %shift_right_logical3A_66 : i32 to vector<1024x1024xi32>
    %shift_right_logical3A_68 = arith.shrui %xor3A_61, %shift_right_logical3A_67 : vector<1024x1024xi32>
    %or3A_69 = arith.ori %shift_left3A_65, %shift_right_logical3A_68 : vector<1024x1024xi32>
    %xor3A_70 = arith.xori %add3A_62, %or3A_69 : vector<1024x1024xi32>
    %add3A_71 = arith.addi %add3A_62, %xor3A_70 : vector<1024x1024xi32>
    %shift_left3A_72 = arith.constant 16 : i32
    %shift_left3A_73 = vector.broadcast %shift_left3A_72 : i32 to vector<1024x1024xi32>
    %shift_left3A_74 = arith.shli %xor3A_70, %shift_left3A_73 : vector<1024x1024xi32>
    %shift_right_logical3A_75 = arith.constant 16 : i32
    %shift_right_logical3A_76 = vector.broadcast %shift_right_logical3A_75 : i32 to vector<1024x1024xi32>
    %shift_right_logical3A_77 = arith.shrui %xor3A_70, %shift_right_logical3A_76 : vector<1024x1024xi32>
    %or3A_78 = arith.ori %shift_left3A_74, %shift_right_logical3A_77 : vector<1024x1024xi32>
    %xor3A_79 = arith.xori %add3A_71, %or3A_78 : vector<1024x1024xi32>
    %add3A_80 = arith.addi %add3A_71, %xor3A_79 : vector<1024x1024xi32>
    %shift_left3A_81 = arith.constant 24 : i32
    %shift_left3A_82 = vector.broadcast %shift_left3A_81 : i32 to vector<1024x1024xi32>
    %shift_left3A_83 = arith.shli %xor3A_79, %shift_left3A_82 : vector<1024x1024xi32>
    %shift_right_logical3A_84 = arith.constant 8 : i32
    %shift_right_logical3A_85 = vector.broadcast %shift_right_logical3A_84 : i32 to vector<1024x1024xi32>
    %shift_right_logical3A_86 = arith.shrui %xor3A_79, %shift_right_logical3A_85 : vector<1024x1024xi32>
    %or3A_87 = arith.ori %shift_left3A_83, %shift_right_logical3A_86 : vector<1024x1024xi32>
    %xor3A_88 = arith.xori %add3A_80, %or3A_87 : vector<1024x1024xi32>
    %add3A_89 = arith.constant 1724713080 : i32
    %add3A_90 = vector.broadcast %add3A_89 : i32 to vector<1024x1024xi32>
    %add3A_91 = arith.addi %add3A_80, %add3A_90 : vector<1024x1024xi32>
    %add3A_92 = arith.constant 1832780945 : i32
    %add3A_93 = vector.broadcast %add3A_92 : i32 to vector<1024x1024xi32>
    %add3A_94 = arith.addi %xor3A_88, %add3A_93 : vector<1024x1024xi32>
    %add3A_95 = arith.addi %add3A_91, %add3A_94 : vector<1024x1024xi32>
    %shift_left3A_96 = arith.constant 13 : i32
    %shift_left3A_97 = vector.broadcast %shift_left3A_96 : i32 to vector<1024x1024xi32>
    %shift_left3A_98 = arith.shli %add3A_94, %shift_left3A_97 : vector<1024x1024xi32>
    %shift_right_logical3A_99 = arith.constant 19 : i32
    %shift_right_logical3A_100 = vector.broadcast %shift_right_logical3A_99 : i32 to vector<1024x1024xi32>
    %shift_right_logical3A_101 = arith.shrui %add3A_94, %shift_right_logical3A_100 : vector<1024x1024xi32>
    %or3A_102 = arith.ori %shift_left3A_98, %shift_right_logical3A_101 : vector<1024x1024xi32>
    %xor3A_103 = arith.xori %add3A_95, %or3A_102 : vector<1024x1024xi32>
    %add3A_104 = arith.addi %add3A_95, %xor3A_103 : vector<1024x1024xi32>
    %shift_left3A_105 = arith.constant 15 : i32
    %shift_left3A_106 = vector.broadcast %shift_left3A_105 : i32 to vector<1024x1024xi32>
    %shift_left3A_107 = arith.shli %xor3A_103, %shift_left3A_106 : vector<1024x1024xi32>
    %shift_right_logical3A_108 = arith.constant 17 : i32
    %shift_right_logical3A_109 = vector.broadcast %shift_right_logical3A_108 : i32 to vector<1024x1024xi32>
    %shift_right_logical3A_110 = arith.shrui %xor3A_103, %shift_right_logical3A_109 : vector<1024x1024xi32>
    %or3A_111 = arith.ori %shift_left3A_107, %shift_right_logical3A_110 : vector<1024x1024xi32>
    %xor3A_112 = arith.xori %add3A_104, %or3A_111 : vector<1024x1024xi32>
    %add3A_113 = arith.addi %add3A_104, %xor3A_112 : vector<1024x1024xi32>
    %shift_left3A_114 = arith.constant 26 : i32
    %shift_left3A_115 = vector.broadcast %shift_left3A_114 : i32 to vector<1024x1024xi32>
    %shift_left3A_116 = arith.shli %xor3A_112, %shift_left3A_115 : vector<1024x1024xi32>
    %shift_right_logical3A_117 = arith.constant 6 : i32
    %shift_right_logical3A_118 = vector.broadcast %shift_right_logical3A_117 : i32 to vector<1024x1024xi32>
    %shift_right_logical3A_119 = arith.shrui %xor3A_112, %shift_right_logical3A_118 : vector<1024x1024xi32>
    %or3A_120 = arith.ori %shift_left3A_116, %shift_right_logical3A_119 : vector<1024x1024xi32>
    %xor3A_121 = arith.xori %add3A_113, %or3A_120 : vector<1024x1024xi32>
    %add3A_122 = arith.addi %add3A_113, %xor3A_121 : vector<1024x1024xi32>
    %shift_left3A_123 = arith.constant 6 : i32
    %shift_left3A_124 = vector.broadcast %shift_left3A_123 : i32 to vector<1024x1024xi32>
    %shift_left3A_125 = arith.shli %xor3A_121, %shift_left3A_124 : vector<1024x1024xi32>
    %shift_right_logical3A_126 = arith.constant 26 : i32
    %shift_right_logical3A_127 = vector.broadcast %shift_right_logical3A_126 : i32 to vector<1024x1024xi32>
    %shift_right_logical3A_128 = arith.shrui %xor3A_121, %shift_right_logical3A_127 : vector<1024x1024xi32>
    %or3A_129 = arith.ori %shift_left3A_125, %shift_right_logical3A_128 : vector<1024x1024xi32>
    %xor3A_130 = arith.xori %add3A_122, %or3A_129 : vector<1024x1024xi32>
    %add3A_131 = arith.constant 1832780943 : i32
    %add3A_132 = vector.broadcast %add3A_131 : i32 to vector<1024x1024xi32>
    %add3A_133 = arith.addi %add3A_122, %add3A_132 : vector<1024x1024xi32>
    %add3A_134 = arith.constant 270669616 : i32
    %add3A_135 = vector.broadcast %add3A_134 : i32 to vector<1024x1024xi32>
    %add3A_136 = arith.addi %xor3A_130, %add3A_135 : vector<1024x1024xi32>
    %add3A_137 = arith.addi %add3A_133, %add3A_136 : vector<1024x1024xi32>
    %shift_left3A_138 = arith.constant 17 : i32
    %shift_left3A_139 = vector.broadcast %shift_left3A_138 : i32 to vector<1024x1024xi32>
    %shift_left3A_140 = arith.shli %add3A_136, %shift_left3A_139 : vector<1024x1024xi32>
    %shift_right_logical3A_141 = arith.constant 15 : i32
    %shift_right_logical3A_142 = vector.broadcast %shift_right_logical3A_141 : i32 to vector<1024x1024xi32>
    %shift_right_logical3A_143 = arith.shrui %add3A_136, %shift_right_logical3A_142 : vector<1024x1024xi32>
    %or3A_144 = arith.ori %shift_left3A_140, %shift_right_logical3A_143 : vector<1024x1024xi32>
    %xor3A_145 = arith.xori %add3A_137, %or3A_144 : vector<1024x1024xi32>
    %add3A_146 = arith.addi %add3A_137, %xor3A_145 : vector<1024x1024xi32>
    %shift_left3A_147 = arith.constant 29 : i32
    %shift_left3A_148 = vector.broadcast %shift_left3A_147 : i32 to vector<1024x1024xi32>
    %shift_left3A_149 = arith.shli %xor3A_145, %shift_left3A_148 : vector<1024x1024xi32>
    %shift_right_logical3A_150 = arith.constant 3 : i32
    %shift_right_logical3A_151 = vector.broadcast %shift_right_logical3A_150 : i32 to vector<1024x1024xi32>
    %shift_right_logical3A_152 = arith.shrui %xor3A_145, %shift_right_logical3A_151 : vector<1024x1024xi32>
    %or3A_153 = arith.ori %shift_left3A_149, %shift_right_logical3A_152 : vector<1024x1024xi32>
    %xor3A_154 = arith.xori %add3A_146, %or3A_153 : vector<1024x1024xi32>
    %add3A_155 = arith.addi %add3A_146, %xor3A_154 : vector<1024x1024xi32>
    %shift_left3A_156 = arith.constant 16 : i32
    %shift_left3A_157 = vector.broadcast %shift_left3A_156 : i32 to vector<1024x1024xi32>
    %shift_left3A_158 = arith.shli %xor3A_154, %shift_left3A_157 : vector<1024x1024xi32>
    %shift_right_logical3A_159 = arith.constant 16 : i32
    %shift_right_logical3A_160 = vector.broadcast %shift_right_logical3A_159 : i32 to vector<1024x1024xi32>
    %shift_right_logical3A_161 = arith.shrui %xor3A_154, %shift_right_logical3A_160 : vector<1024x1024xi32>
    %or3A_162 = arith.ori %shift_left3A_158, %shift_right_logical3A_161 : vector<1024x1024xi32>
    %xor3A_163 = arith.xori %add3A_155, %or3A_162 : vector<1024x1024xi32>
    %add3A_164 = arith.addi %add3A_155, %xor3A_163 : vector<1024x1024xi32>
    %shift_left3A_165 = arith.constant 24 : i32
    %shift_left3A_166 = vector.broadcast %shift_left3A_165 : i32 to vector<1024x1024xi32>
    %shift_left3A_167 = arith.shli %xor3A_163, %shift_left3A_166 : vector<1024x1024xi32>
    %shift_right_logical3A_168 = arith.constant 8 : i32
    %shift_right_logical3A_169 = vector.broadcast %shift_right_logical3A_168 : i32 to vector<1024x1024xi32>
    %shift_right_logical3A_170 = arith.shrui %xor3A_163, %shift_right_logical3A_169 : vector<1024x1024xi32>
    %or3A_171 = arith.ori %shift_left3A_167, %shift_right_logical3A_170 : vector<1024x1024xi32>
    %xor3A_172 = arith.xori %add3A_164, %or3A_171 : vector<1024x1024xi32>
    %add3A_173 = arith.constant 270669613 : i32
    %add3A_174 = vector.broadcast %add3A_173 : i32 to vector<1024x1024xi32>
    %add3A_175 = arith.addi %add3A_164, %add3A_174 : vector<1024x1024xi32>
    %add3A_176 = arith.constant 1724713084 : i32
    %add3A_177 = vector.broadcast %add3A_176 : i32 to vector<1024x1024xi32>
    %add3A_178 = arith.addi %xor3A_172, %add3A_177 : vector<1024x1024xi32>
    %add3A_179 = arith.addi %add3A_175, %add3A_178 : vector<1024x1024xi32>
    %shift_left3A_180 = arith.constant 13 : i32
    %shift_left3A_181 = vector.broadcast %shift_left3A_180 : i32 to vector<1024x1024xi32>
    %shift_left3A_182 = arith.shli %add3A_178, %shift_left3A_181 : vector<1024x1024xi32>
    %shift_right_logical3A_183 = arith.constant 19 : i32
    %shift_right_logical3A_184 = vector.broadcast %shift_right_logical3A_183 : i32 to vector<1024x1024xi32>
    %shift_right_logical3A_185 = arith.shrui %add3A_178, %shift_right_logical3A_184 : vector<1024x1024xi32>
    %or3A_186 = arith.ori %shift_left3A_182, %shift_right_logical3A_185 : vector<1024x1024xi32>
    %xor3A_187 = arith.xori %add3A_179, %or3A_186 : vector<1024x1024xi32>
    %add3A_188 = arith.addi %add3A_179, %xor3A_187 : vector<1024x1024xi32>
    %shift_left3A_189 = arith.constant 15 : i32
    %shift_left3A_190 = vector.broadcast %shift_left3A_189 : i32 to vector<1024x1024xi32>
    %shift_left3A_191 = arith.shli %xor3A_187, %shift_left3A_190 : vector<1024x1024xi32>
    %shift_right_logical3A_192 = arith.constant 17 : i32
    %shift_right_logical3A_193 = vector.broadcast %shift_right_logical3A_192 : i32 to vector<1024x1024xi32>
    %shift_right_logical3A_194 = arith.shrui %xor3A_187, %shift_right_logical3A_193 : vector<1024x1024xi32>
    %or3A_195 = arith.ori %shift_left3A_191, %shift_right_logical3A_194 : vector<1024x1024xi32>
    %xor3A_196 = arith.xori %add3A_188, %or3A_195 : vector<1024x1024xi32>
    %add3A_197 = arith.addi %add3A_188, %xor3A_196 : vector<1024x1024xi32>
    %shift_left3A_198 = arith.constant 26 : i32
    %shift_left3A_199 = vector.broadcast %shift_left3A_198 : i32 to vector<1024x1024xi32>
    %shift_left3A_200 = arith.shli %xor3A_196, %shift_left3A_199 : vector<1024x1024xi32>
    %shift_right_logical3A_201 = arith.constant 6 : i32
    %shift_right_logical3A_202 = vector.broadcast %shift_right_logical3A_201 : i32 to vector<1024x1024xi32>
    %shift_right_logical3A_203 = arith.shrui %xor3A_196, %shift_right_logical3A_202 : vector<1024x1024xi32>
    %or3A_204 = arith.ori %shift_left3A_200, %shift_right_logical3A_203 : vector<1024x1024xi32>
    %xor3A_205 = arith.xori %add3A_197, %or3A_204 : vector<1024x1024xi32>
    %add3A_206 = arith.addi %add3A_197, %xor3A_205 : vector<1024x1024xi32>
    %shift_left3A_207 = arith.constant 6 : i32
    %shift_left3A_208 = vector.broadcast %shift_left3A_207 : i32 to vector<1024x1024xi32>
    %shift_left3A_209 = arith.shli %xor3A_205, %shift_left3A_208 : vector<1024x1024xi32>
    %shift_right_logical3A_210 = arith.constant 26 : i32
    %shift_right_logical3A_211 = vector.broadcast %shift_right_logical3A_210 : i32 to vector<1024x1024xi32>
    %shift_right_logical3A_212 = arith.shrui %xor3A_205, %shift_right_logical3A_211 : vector<1024x1024xi32>
    %or3A_213 = arith.ori %shift_left3A_209, %shift_right_logical3A_212 : vector<1024x1024xi32>
    %xor3A_214 = arith.xori %add3A_206, %or3A_213 : vector<1024x1024xi32>
    %add3A_215 = arith.constant 1724713080 : i32
    %add3A_216 = vector.broadcast %add3A_215 : i32 to vector<1024x1024xi32>
    %add3A_217 = arith.addi %add3A_206, %add3A_216 : vector<1024x1024xi32>
    %add3A_218 = arith.constant 1832780948 : i32
    %add3A_219 = vector.broadcast %add3A_218 : i32 to vector<1024x1024xi32>
    %add3A_220 = arith.addi %xor3A_214, %add3A_219 : vector<1024x1024xi32>
    %xor3A_221 = arith.xori %add3A_217, %add3A_220 : vector<1024x1024xi32>
    %shift_right_logical3A_222 = arith.constant 9 : i32
    %shift_right_logical3A_223 = vector.broadcast %shift_right_logical3A_222 : i32 to vector<1024x1024xi32>
    %shift_right_logical3A_224 = arith.shrui %xor3A_221, %shift_right_logical3A_223 : vector<1024x1024xi32>
    %or3A_225 = arith.constant 1065353216 : i32
    %or3A_226 = vector.broadcast %or3A_225 : i32 to vector<1024x1024xi32>
    %or3A_227 = arith.ori %shift_right_logical3A_224, %or3A_226 : vector<1024x1024xi32>
    %bitcast_convert_type3A = tpu.bitcast %or3A_227 : vector<1024x1024xi32> -> vector<1024x1024xf32>
    %sub3A = arith.constant 1.000000e+00 : f32
    %sub3A_228 = vector.broadcast %sub3A : f32 to vector<1024x1024xf32>
    %sub3A_229 = arith.subf %bitcast_convert_type3A, %sub3A_228 : vector<1024x1024xf32>
    %mul3A_230 = arith.constant 1.000000e+00 : f32
    %mul3A_231 = vector.broadcast %mul3A_230 : f32 to vector<1024x1024xf32>
    %mul3A_232 = arith.mulf %sub3A_229, %mul3A_231 : vector<1024x1024xf32>
    %add3A_233 = arith.constant 1.17549435E-38 : f32
    %add3A_234 = vector.broadcast %add3A_233 : f32 to vector<1024x1024xf32>
    %add3A_235 = arith.addf %mul3A_232, %add3A_234 : vector<1024x1024xf32>
    %max3A = arith.constant 1.17549435E-38 : f32
    %max3A_236 = vector.broadcast %max3A : f32 to vector<1024x1024xf32>
    %max3A_237 = arith.maximumf %add3A_235, %max3A_236 : vector<1024x1024xf32>
    %log3A = math.log %max3A_237 : vector<1024x1024xf32>
    %neg3A = arith.constant 0.000000e+00 : f32
    %neg3A_238 = vector.broadcast %neg3A : f32 to vector<1024x1024xf32>
    %neg3A_239 = arith.subf %neg3A_238, %log3A : vector<1024x1024xf32>
    %log3A_240 = math.log %neg3A_239 : vector<1024x1024xf32>
    %neg3A_241 = arith.constant 0.000000e+00 : f32
    %neg3A_242 = vector.broadcast %neg3A_241 : f32 to vector<1024x1024xf32>
    %neg3A_243 = arith.subf %neg3A_242, %log3A_240 : vector<1024x1024xf32>
    %get3A_244 = arith.constant 0 : index
    %get3A_245 = arith.constant 0 : index
    %get3A_246 = arith.constant 0 : index
    %get3A_247 = vector.load %arg2[%get3A_244, %get3A_245, %get3A_246] : memref<1x1x2048xf32, #tpu.memory_space<vmem>>, vector<1x1x1024xf32>
    %get3A_248 = vector.shape_cast %get3A_247 : vector<1x1x1024xf32> to vector<1x1024xf32>
    %add3A_249 = vector.broadcast %get3A_248 : vector<1x1024xf32> to vector<1024x1024xf32>
    %add3A_250 = arith.addf %neg3A_243, %add3A_249 : vector<1024x1024xf32>
    %reduce_max3A = arith.constant dense<0xFF800000> : vector<1024xf32>
    %reduce_max3A_251 = vector.multi_reduction <maximumf>, %add3A_250, %reduce_max3A [1] : vector<1024x1024xf32> to vector<1024xf32>
    %broadcast_in_dim3A_252 = vector.shape_cast %reduce_max3A_251 : vector<1024xf32> to vector<1024x1xf32>
    %eq3A = vector.broadcast %broadcast_in_dim3A_252 : vector<1024x1xf32> to vector<1024x1024xf32>
    %eq3A_253 = arith.cmpf oeq, %add3A_250, %eq3A : vector<1024x1024xf32>
    %jit3A = arith.constant 1024 : i32
    %broadcast_in_dim3A_254 = vector.broadcast %jit3A : i32 to vector<1024x1024xi32>
    %select_n3A = arith.select %eq3A_253, %iota3A_4, %broadcast_in_dim3A_254 : vector<1024x1024xi1>, vector<1024x1024xi32>
    %reduce_min3A = arith.constant dense<2147483647> : vector<1024xi32>
    %reduce_min3A_255 = vector.multi_reduction <minsi>, %select_n3A, %reduce_min3A [1] : vector<1024x1024xi32> to vector<1024xi32>
    %broadcast_in_dim3A_256 = vector.shape_cast %reduce_min3A_255 : vector<1024xi32> to vector<1024x1xi32>
    %get3A_257 = arith.constant 0 : index
    %get3A_258 = arith.index_cast %arg0 : i32 to index
    %get3A_259 = memref.load %arg1[%get3A_257, %get3A_258] : memref<2x128xi32, #tpu.memory_space<smem>>
    %gt3A = arith.constant 0 : i32
    %gt3A_260 = arith.cmpi sgt, %get3A_259, %gt3A : i32
    %slice3A = vector.extract_strided_slice %iota3A {offsets = [0, 0], sizes = [1024, 1], strides = [1, 1]} : vector<1024x1024xi32> to vector<1024x1xi32>
    %select_n3A_261 = arith.select %gt3A_260, %broadcast_in_dim3A_256, %slice3A : vector<1024x1xi32>
    %eq3A_262 = vector.broadcast %select_n3A_261 : vector<1024x1xi32> to vector<1024x1024xi32>
    %eq3A_263 = arith.cmpi eq, %iota3A_4, %eq3A_262 : vector<1024x1024xi32>
    %convert_element_type3A = arith.extui %eq3A_263 : vector<1024x1024xi1> to vector<1024x1024xi32>
    %convert_element_type3A_264 = arith.sitofp %convert_element_type3A : vector<1024x1024xi32> to vector<1024x1024xf32>
    %slice3A_265 = vector.extract_strided_slice %reshape3A {offsets = [0, 0], sizes = [128, 1024], strides = [1, 1]} : vector<128x2048xf32> to vector<128x1024xf32>
    %dot_general3A = arith.constant dense<0.000000e+00> : vector<128x1024xf32>
    %dot_general3A_266 = tpu.matmul %slice3A_265, %convert_element_type3A_264, %dot_general3A {dimension_numbers = #tpu.dot_dimension_numbers<[1], [1], [0], [0], [0, 0, 1, 0], [], []>, precision = #tpu.contract_precision<fp32>, transpose_lhs_hint = false} : vector<128x1024xf32>, vector<1024x1024xf32>, vector<128x1024xf32> -> vector<128x1024xf32>
    %reshape3A_267 = vector.shape_cast %dot_general3A_266 : vector<128x1024xf32> to vector<2x64x1024xf32>
    %swap3A = arith.constant 0 : index
    %swap3A_268 = arith.constant 0 : index
    %swap3A_269 = arith.constant 0 : index
    %swap3A_270 = arith.constant 0 : index
    %swap3A_271 = vector.load %arg4[%swap3A, %swap3A_268, %swap3A_269, %swap3A_270] : memref<2x1x64x2048xf32, #tpu.memory_space<vmem>>, vector<2x1x64x1024xf32>
    %swap3A_272 = vector.shape_cast %swap3A_271 : vector<2x1x64x1024xf32> to vector<2x64x1024xf32>
    %swap3A_273 = vector.shape_cast %reshape3A_267 : vector<2x64x1024xf32> to vector<2x1x64x1024xf32>
    tpu.vector_store %arg4[%swap3A, %swap3A_268, %swap3A_269, %swap3A_270], %swap3A_273 {strides = array<i32>} : memref<2x1x64x2048xf32, #tpu.memory_space<vmem>>, vector<2x1x64x1024xf32>,
    %broadcast_in_dim3A_274 = arith.constant 64467757 : i32
    %broadcast_in_dim3A_275 = vector.broadcast %broadcast_in_dim3A_274 : i32 to vector<1024x1024xi32>
    %add3A_276 = arith.constant -1378843660 : i32
    %add3A_277 = vector.broadcast %add3A_276 : i32 to vector<1024x1024xi32>
    %add3A_278 = arith.addi %add3A_10, %add3A_277 : vector<1024x1024xi32>
    %add3A_279 = arith.addi %broadcast_in_dim3A_275, %add3A_278 : vector<1024x1024xi32>
    %shift_left3A_280 = arith.constant 13 : i32
    %shift_left3A_281 = vector.broadcast %shift_left3A_280 : i32 to vector<1024x1024xi32>
    %shift_left3A_282 = arith.shli %add3A_278, %shift_left3A_281 : vector<1024x1024xi32>
    %shift_right_logical3A_283 = arith.constant 19 : i32
    %shift_right_logical3A_284 = vector.broadcast %shift_right_logical3A_283 : i32 to vector<1024x1024xi32>
    %shift_right_logical3A_285 = arith.shrui %add3A_278, %shift_right_logical3A_284 : vector<1024x1024xi32>
    %or3A_286 = arith.ori %shift_left3A_282, %shift_right_logical3A_285 : vector<1024x1024xi32>
    %xor3A_287 = arith.xori %add3A_279, %or3A_286 : vector<1024x1024xi32>
    %add3A_288 = arith.addi %add3A_279, %xor3A_287 : vector<1024x1024xi32>
    %shift_left3A_289 = arith.constant 15 : i32
    %shift_left3A_290 = vector.broadcast %shift_left3A_289 : i32 to vector<1024x1024xi32>
    %shift_left3A_291 = arith.shli %xor3A_287, %shift_left3A_290 : vector<1024x1024xi32>
    %shift_right_logical3A_292 = arith.constant 17 : i32
    %shift_right_logical3A_293 = vector.broadcast %shift_right_logical3A_292 : i32 to vector<1024x1024xi32>
    %shift_right_logical3A_294 = arith.shrui %xor3A_287, %shift_right_logical3A_293 : vector<1024x1024xi32>
    %or3A_295 = arith.ori %shift_left3A_291, %shift_right_logical3A_294 : vector<1024x1024xi32>
    %xor3A_296 = arith.xori %add3A_288, %or3A_295 : vector<1024x1024xi32>
    %add3A_297 = arith.addi %add3A_288, %xor3A_296 : vector<1024x1024xi32>
    %shift_left3A_298 = arith.constant 26 : i32
    %shift_left3A_299 = vector.broadcast %shift_left3A_298 : i32 to vector<1024x1024xi32>
    %shift_left3A_300 = arith.shli %xor3A_296, %shift_left3A_299 : vector<1024x1024xi32>
    %shift_right_logical3A_301 = arith.constant 6 : i32
    %shift_right_logical3A_302 = vector.broadcast %shift_right_logical3A_301 : i32 to vector<1024x1024xi32>
    %shift_right_logical3A_303 = arith.shrui %xor3A_296, %shift_right_logical3A_302 : vector<1024x1024xi32>
    %or3A_304 = arith.ori %shift_left3A_300, %shift_right_logical3A_303 : vector<1024x1024xi32>
    %xor3A_305 = arith.xori %add3A_297, %or3A_304 : vector<1024x1024xi32>
    %add3A_306 = arith.addi %add3A_297, %xor3A_305 : vector<1024x1024xi32>
    %shift_left3A_307 = arith.constant 6 : i32
    %shift_left3A_308 = vector.broadcast %shift_left3A_307 : i32 to vector<1024x1024xi32>
    %shift_left3A_309 = arith.shli %xor3A_305, %shift_left3A_308 : vector<1024x1024xi32>
    %shift_right_logical3A_310 = arith.constant 26 : i32
    %shift_right_logical3A_311 = vector.broadcast %shift_right_logical3A_310 : i32 to vector<1024x1024xi32>
    %shift_right_logical3A_312 = arith.shrui %xor3A_305, %shift_right_logical3A_311 : vector<1024x1024xi32>
    %or3A_313 = arith.ori %shift_left3A_309, %shift_right_logical3A_312 : vector<1024x1024xi32>
    %xor3A_314 = arith.xori %add3A_306, %or3A_313 : vector<1024x1024xi32>
    %add3A_315 = arith.constant -1378843660 : i32
    %add3A_316 = vector.broadcast %add3A_315 : i32 to vector<1024x1024xi32>
    %add3A_317 = arith.addi %add3A_306, %add3A_316 : vector<1024x1024xi32>
    %add3A_318 = arith.constant -1244255484 : i32
    %add3A_319 = vector.broadcast %add3A_318 : i32 to vector<1024x1024xi32>
    %add3A_320 = arith.addi %xor3A_314, %add3A_319 : vector<1024x1024xi32>
    %add3A_321 = arith.addi %add3A_317, %add3A_320 : vector<1024x1024xi32>
    %shift_left3A_322 = arith.constant 17 : i32
    %shift_left3A_323 = vector.broadcast %shift_left3A_322 : i32 to vector<1024x1024xi32>
    %shift_left3A_324 = arith.shli %add3A_320, %shift_left3A_323 : vector<1024x1024xi32>
    %shift_right_logical3A_325 = arith.constant 15 : i32
    %shift_right_logical3A_326 = vector.broadcast %shift_right_logical3A_325 : i32 to vector<1024x1024xi32>
    %shift_right_logical3A_327 = arith.shrui %add3A_320, %shift_right_logical3A_326 : vector<1024x1024xi32>
    %or3A_328 = arith.ori %shift_left3A_324, %shift_right_logical3A_327 : vector<1024x1024xi32>
    %xor3A_329 = arith.xori %add3A_321, %or3A_328 : vector<1024x1024xi32>
    %add3A_330 = arith.addi %add3A_321, %xor3A_329 : vector<1024x1024xi32>
    %shift_left3A_331 = arith.constant 29 : i32
    %shift_left3A_332 = vector.broadcast %shift_left3A_331 : i32 to vector<1024x1024xi32>
    %shift_left3A_333 = arith.shli %xor3A_329, %shift_left3A_332 : vector<1024x1024xi32>
    %shift_right_logical3A_334 = arith.constant 3 : i32
    %shift_right_logical3A_335 = vector.broadcast %shift_right_logical3A_334 : i32 to vector<1024x1024xi32>
    %shift_right_logical3A_336 = arith.shrui %xor3A_329, %shift_right_logical3A_335 : vector<1024x1024xi32>
    %or3A_337 = arith.ori %shift_left3A_333, %shift_right_logical3A_336 : vector<1024x1024xi32>
    %xor3A_338 = arith.xori %add3A_330, %or3A_337 : vector<1024x1024xi32>
    %add3A_339 = arith.addi %add3A_330, %xor3A_338 : vector<1024x1024xi32>
    %shift_left3A_340 = arith.constant 16 : i32
    %shift_left3A_341 = vector.broadcast %shift_left3A_340 : i32 to vector<1024x1024xi32>
    %shift_left3A_342 = arith.shli %xor3A_338, %shift_left3A_341 : vector<1024x1024xi32>
    %shift_right_logical3A_343 = arith.constant 16 : i32
    %shift_right_logical3A_344 = vector.broadcast %shift_right_logical3A_343 : i32 to vector<1024x1024xi32>
    %shift_right_logical3A_345 = arith.shrui %xor3A_338, %shift_right_logical3A_344 : vector<1024x1024xi32>
    %or3A_346 = arith.ori %shift_left3A_342, %shift_right_logical3A_345 : vector<1024x1024xi32>
    %xor3A_347 = arith.xori %add3A_339, %or3A_346 : vector<1024x1024xi32>
    %add3A_348 = arith.addi %add3A_339, %xor3A_347 : vector<1024x1024xi32>
    %shift_left3A_349 = arith.constant 24 : i32
    %shift_left3A_350 = vector.broadcast %shift_left3A_349 : i32 to vector<1024x1024xi32>
    %shift_left3A_351 = arith.shli %xor3A_347, %shift_left3A_350 : vector<1024x1024xi32>
    %shift_right_logical3A_352 = arith.constant 8 : i32
    %shift_right_logical3A_353 = vector.broadcast %shift_right_logical3A_352 : i32 to vector<1024x1024xi32>
    %shift_right_logical3A_354 = arith.shrui %xor3A_347, %shift_right_logical3A_353 : vector<1024x1024xi32>
    %or3A_355 = arith.ori %shift_left3A_351, %shift_right_logical3A_354 : vector<1024x1024xi32>
    %xor3A_356 = arith.xori %add3A_348, %or3A_355 : vector<1024x1024xi32>
    %add3A_357 = arith.constant -1244255485 : i32
    %add3A_358 = vector.broadcast %add3A_357 : i32 to vector<1024x1024xi32>
    %add3A_359 = arith.addi %add3A_348, %add3A_358 : vector<1024x1024xi32>
    %add3A_360 = arith.constant 64467759 : i32
    %add3A_361 = vector.broadcast %add3A_360 : i32 to vector<1024x1024xi32>
    %add3A_362 = arith.addi %xor3A_356, %add3A_361 : vector<1024x1024xi32>
    %add3A_363 = arith.addi %add3A_359, %add3A_362 : vector<1024x1024xi32>
    %shift_left3A_364 = arith.constant 13 : i32
    %shift_left3A_365 = vector.broadcast %shift_left3A_364 : i32 to vector<1024x1024xi32>
    %shift_left3A_366 = arith.shli %add3A_362, %shift_left3A_365 : vector<1024x1024xi32>
    %shift_right_logical3A_367 = arith.constant 19 : i32
    %shift_right_logical3A_368 = vector.broadcast %shift_right_logical3A_367 : i32 to vector<1024x1024xi32>
    %shift_right_logical3A_369 = arith.shrui %add3A_362, %shift_right_logical3A_368 : vector<1024x1024xi32>
    %or3A_370 = arith.ori %shift_left3A_366, %shift_right_logical3A_369 : vector<1024x1024xi32>
    %xor3A_371 = arith.xori %add3A_363, %or3A_370 : vector<1024x1024xi32>
    %add3A_372 = arith.addi %add3A_363, %xor3A_371 : vector<1024x1024xi32>
    %shift_left3A_373 = arith.constant 15 : i32
    %shift_left3A_374 = vector.broadcast %shift_left3A_373 : i32 to vector<1024x1024xi32>
    %shift_left3A_375 = arith.shli %xor3A_371, %shift_left3A_374 : vector<1024x1024xi32>
    %shift_right_logical3A_376 = arith.constant 17 : i32
    %shift_right_logical3A_377 = vector.broadcast %shift_right_logical3A_376 : i32 to vector<1024x1024xi32>
    %shift_right_logical3A_378 = arith.shrui %xor3A_371, %shift_right_logical3A_377 : vector<1024x1024xi32>
    %or3A_379 = arith.ori %shift_left3A_375, %shift_right_logical3A_378 : vector<1024x1024xi32>
    %xor3A_380 = arith.xori %add3A_372, %or3A_379 : vector<1024x1024xi32>
    %add3A_381 = arith.addi %add3A_372, %xor3A_380 : vector<1024x1024xi32>
    %shift_left3A_382 = arith.constant 26 : i32
    %shift_left3A_383 = vector.broadcast %shift_left3A_382 : i32 to vector<1024x1024xi32>
    %shift_left3A_384 = arith.shli %xor3A_380, %shift_left3A_383 : vector<1024x1024xi32>
    %shift_right_logical3A_385 = arith.constant 6 : i32
    %shift_right_logical3A_386 = vector.broadcast %shift_right_logical3A_385 : i32 to vector<1024x1024xi32>
    %shift_right_logical3A_387 = arith.shrui %xor3A_380, %shift_right_logical3A_386 : vector<1024x1024xi32>
    %or3A_388 = arith.ori %shift_left3A_384, %shift_right_logical3A_387 : vector<1024x1024xi32>
    %xor3A_389 = arith.xori %add3A_381, %or3A_388 : vector<1024x1024xi32>
    %add3A_390 = arith.addi %add3A_381, %xor3A_389 : vector<1024x1024xi32>
    %shift_left3A_391 = arith.constant 6 : i32
    %shift_left3A_392 = vector.broadcast %shift_left3A_391 : i32 to vector<1024x1024xi32>
    %shift_left3A_393 = arith.shli %xor3A_389, %shift_left3A_392 : vector<1024x1024xi32>
    %shift_right_logical3A_394 = arith.constant 26 : i32
    %shift_right_logical3A_395 = vector.broadcast %shift_right_logical3A_394 : i32 to vector<1024x1024xi32>
    %shift_right_logical3A_396 = arith.shrui %xor3A_389, %shift_right_logical3A_395 : vector<1024x1024xi32>
    %or3A_397 = arith.ori %shift_left3A_393, %shift_right_logical3A_396 : vector<1024x1024xi32>
    %xor3A_398 = arith.xori %add3A_390, %or3A_397 : vector<1024x1024xi32>
    %add3A_399 = arith.constant 64467757 : i32
    %add3A_400 = vector.broadcast %add3A_399 : i32 to vector<1024x1024xi32>
    %add3A_401 = arith.addi %add3A_390, %add3A_400 : vector<1024x1024xi32>
    %add3A_402 = arith.constant -1378843657 : i32
    %add3A_403 = vector.broadcast %add3A_402 : i32 to vector<1024x1024xi32>
    %add3A_404 = arith.addi %xor3A_398, %add3A_403 : vector<1024x1024xi32>
    %add3A_405 = arith.addi %add3A_401, %add3A_404 : vector<1024x1024xi32>
    %shift_left3A_406 = arith.constant 17 : i32
    %shift_left3A_407 = vector.broadcast %shift_left3A_406 : i32 to vector<1024x1024xi32>
    %shift_left3A_408 = arith.shli %add3A_404, %shift_left3A_407 : vector<1024x1024xi32>
    %shift_right_logical3A_409 = arith.constant 15 : i32
    %shift_right_logical3A_410 = vector.broadcast %shift_right_logical3A_409 : i32 to vector<1024x1024xi32>
    %shift_right_logical3A_411 = arith.shrui %add3A_404, %shift_right_logical3A_410 : vector<1024x1024xi32>
    %or3A_412 = arith.ori %shift_left3A_408, %shift_right_logical3A_411 : vector<1024x1024xi32>
    %xor3A_413 = arith.xori %add3A_405, %or3A_412 : vector<1024x1024xi32>
    %add3A_414 = arith.addi %add3A_405, %xor3A_413 : vector<1024x1024xi32>
    %shift_left3A_415 = arith.constant 29 : i32
    %shift_left3A_416 = vector.broadcast %shift_left3A_415 : i32 to vector<1024x1024xi32>
    %shift_left3A_417 = arith.shli %xor3A_413, %shift_left3A_416 : vector<1024x1024xi32>
    %shift_right_logical3A_418 = arith.constant 3 : i32
    %shift_right_logical3A_419 = vector.broadcast %shift_right_logical3A_418 : i32 to vector<1024x1024xi32>
    %shift_right_logical3A_420 = arith.shrui %xor3A_413, %shift_right_logical3A_419 : vector<1024x1024xi32>
    %or3A_421 = arith.ori %shift_left3A_417, %shift_right_logical3A_420 : vector<1024x1024xi32>
    %xor3A_422 = arith.xori %add3A_414, %or3A_421 : vector<1024x1024xi32>
    %add3A_423 = arith.addi %add3A_414, %xor3A_422 : vector<1024x1024xi32>
    %shift_left3A_424 = arith.constant 16 : i32
    %shift_left3A_425 = vector.broadcast %shift_left3A_424 : i32 to vector<1024x1024xi32>
    %shift_left3A_426 = arith.shli %xor3A_422, %shift_left3A_425 : vector<1024x1024xi32>
    %shift_right_logical3A_427 = arith.constant 16 : i32
    %shift_right_logical3A_428 = vector.broadcast %shift_right_logical3A_427 : i32 to vector<1024x1024xi32>
    %shift_right_logical3A_429 = arith.shrui %xor3A_422, %shift_right_logical3A_428 : vector<1024x1024xi32>
    %or3A_430 = arith.ori %shift_left3A_426, %shift_right_logical3A_429 : vector<1024x1024xi32>
    %xor3A_431 = arith.xori %add3A_423, %or3A_430 : vector<1024x1024xi32>
    %add3A_432 = arith.addi %add3A_423, %xor3A_431 : vector<1024x1024xi32>
    %shift_left3A_433 = arith.constant 24 : i32
    %shift_left3A_434 = vector.broadcast %shift_left3A_433 : i32 to vector<1024x1024xi32>
    %shift_left3A_435 = arith.shli %xor3A_431, %shift_left3A_434 : vector<1024x1024xi32>
    %shift_right_logical3A_436 = arith.constant 8 : i32
    %shift_right_logical3A_437 = vector.broadcast %shift_right_logical3A_436 : i32 to vector<1024x1024xi32>
    %shift_right_logical3A_438 = arith.shrui %xor3A_431, %shift_right_logical3A_437 : vector<1024x1024xi32>
    %or3A_439 = arith.ori %shift_left3A_435, %shift_right_logical3A_438 : vector<1024x1024xi32>
    %xor3A_440 = arith.xori %add3A_432, %or3A_439 : vector<1024x1024xi32>
    %add3A_441 = arith.constant -1378843660 : i32
    %add3A_442 = vector.broadcast %add3A_441 : i32 to vector<1024x1024xi32>
    %add3A_443 = arith.addi %add3A_432, %add3A_442 : vector<1024x1024xi32>
    %add3A_444 = arith.constant -1244255481 : i32
    %add3A_445 = vector.broadcast %add3A_444 : i32 to vector<1024x1024xi32>
    %add3A_446 = arith.addi %xor3A_440, %add3A_445 : vector<1024x1024xi32>
    %add3A_447 = arith.addi %add3A_443, %add3A_446 : vector<1024x1024xi32>
    %shift_left3A_448 = arith.constant 13 : i32
    %shift_left3A_449 = vector.broadcast %shift_left3A_448 : i32 to vector<1024x1024xi32>
    %shift_left3A_450 = arith.shli %add3A_446, %shift_left3A_449 : vector<1024x1024xi32>
    %shift_right_logical3A_451 = arith.constant 19 : i32
    %shift_right_logical3A_452 = vector.broadcast %shift_right_logical3A_451 : i32 to vector<1024x1024xi32>
    %shift_right_logical3A_453 = arith.shrui %add3A_446, %shift_right_logical3A_452 : vector<1024x1024xi32>
    %or3A_454 = arith.ori %shift_left3A_450, %shift_right_logical3A_453 : vector<1024x1024xi32>
    %xor3A_455 = arith.xori %add3A_447, %or3A_454 : vector<1024x1024xi32>
    %add3A_456 = arith.addi %add3A_447, %xor3A_455 : vector<1024x1024xi32>
    %shift_left3A_457 = arith.constant 15 : i32
    %shift_left3A_458 = vector.broadcast %shift_left3A_457 : i32 to vector<1024x1024xi32>
    %shift_left3A_459 = arith.shli %xor3A_455, %shift_left3A_458 : vector<1024x1024xi32>
    %shift_right_logical3A_460 = arith.constant 17 : i32
    %shift_right_logical3A_461 = vector.broadcast %shift_right_logical3A_460 : i32 to vector<1024x1024xi32>
    %shift_right_logical3A_462 = arith.shrui %xor3A_455, %shift_right_logical3A_461 : vector<1024x1024xi32>
    %or3A_463 = arith.ori %shift_left3A_459, %shift_right_logical3A_462 : vector<1024x1024xi32>
    %xor3A_464 = arith.xori %add3A_456, %or3A_463 : vector<1024x1024xi32>
    %add3A_465 = arith.addi %add3A_456, %xor3A_464 : vector<1024x1024xi32>
    %shift_left3A_466 = arith.constant 26 : i32
    %shift_left3A_467 = vector.broadcast %shift_left3A_466 : i32 to vector<1024x1024xi32>
    %shift_left3A_468 = arith.shli %xor3A_464, %shift_left3A_467 : vector<1024x1024xi32>
    %shift_right_logical3A_469 = arith.constant 6 : i32
    %shift_right_logical3A_470 = vector.broadcast %shift_right_logical3A_469 : i32 to vector<1024x1024xi32>
    %shift_right_logical3A_471 = arith.shrui %xor3A_464, %shift_right_logical3A_470 : vector<1024x1024xi32>
    %or3A_472 = arith.ori %shift_left3A_468, %shift_right_logical3A_471 : vector<1024x1024xi32>
    %xor3A_473 = arith.xori %add3A_465, %or3A_472 : vector<1024x1024xi32>
    %add3A_474 = arith.addi %add3A_465, %xor3A_473 : vector<1024x1024xi32>
    %shift_left3A_475 = arith.constant 6 : i32
    %shift_left3A_476 = vector.broadcast %shift_left3A_475 : i32 to vector<1024x1024xi32>
    %shift_left3A_477 = arith.shli %xor3A_473, %shift_left3A_476 : vector<1024x1024xi32>
    %shift_right_logical3A_478 = arith.constant 26 : i32
    %shift_right_logical3A_479 = vector.broadcast %shift_right_logical3A_478 : i32 to vector<1024x1024xi32>
    %shift_right_logical3A_480 = arith.shrui %xor3A_473, %shift_right_logical3A_479 : vector<1024x1024xi32>
    %or3A_481 = arith.ori %shift_left3A_477, %shift_right_logical3A_480 : vector<1024x1024xi32>
    %xor3A_482 = arith.xori %add3A_474, %or3A_481 : vector<1024x1024xi32>
    %add3A_483 = arith.constant -1244255485 : i32
    %add3A_484 = vector.broadcast %add3A_483 : i32 to vector<1024x1024xi32>
    %add3A_485 = arith.addi %add3A_474, %add3A_484 : vector<1024x1024xi32>
    %add3A_486 = arith.constant 64467762 : i32
    %add3A_487 = vector.broadcast %add3A_486 : i32 to vector<1024x1024xi32>
    %add3A_488 = arith.addi %xor3A_482, %add3A_487 : vector<1024x1024xi32>
    %xor3A_489 = arith.xori %add3A_485, %add3A_488 : vector<1024x1024xi32>
    %shift_right_logical3A_490 = arith.constant 9 : i32
    %shift_right_logical3A_491 = vector.broadcast %shift_right_logical3A_490 : i32 to vector<1024x1024xi32>
    %shift_right_logical3A_492 = arith.shrui %xor3A_489, %shift_right_logical3A_491 : vector<1024x1024xi32>
    %or3A_493 = arith.constant 1065353216 : i32
    %or3A_494 = vector.broadcast %or3A_493 : i32 to vector<1024x1024xi32>
    %or3A_495 = arith.ori %shift_right_logical3A_492, %or3A_494 : vector<1024x1024xi32>
    %bitcast_convert_type3A_496 = tpu.bitcast %or3A_495 : vector<1024x1024xi32> -> vector<1024x1024xf32>
    %sub3A_497 = arith.constant 1.000000e+00 : f32
    %sub3A_498 = vector.broadcast %sub3A_497 : f32 to vector<1024x1024xf32>
    %sub3A_499 = arith.subf %bitcast_convert_type3A_496, %sub3A_498 : vector<1024x1024xf32>
    %mul3A_500 = arith.constant 1.000000e+00 : f32
    %mul3A_501 = vector.broadcast %mul3A_500 : f32 to vector<1024x1024xf32>
    %mul3A_502 = arith.mulf %sub3A_499, %mul3A_501 : vector<1024x1024xf32>
    %add3A_503 = arith.constant 1.17549435E-38 : f32
    %add3A_504 = vector.broadcast %add3A_503 : f32 to vector<1024x1024xf32>
    %add3A_505 = arith.addf %mul3A_502, %add3A_504 : vector<1024x1024xf32>
    %max3A_506 = arith.constant 1.17549435E-38 : f32
    %max3A_507 = vector.broadcast %max3A_506 : f32 to vector<1024x1024xf32>
    %max3A_508 = arith.maximumf %add3A_505, %max3A_507 : vector<1024x1024xf32>
    %log3A_509 = math.log %max3A_508 : vector<1024x1024xf32>
    %neg3A_510 = arith.constant 0.000000e+00 : f32
    %neg3A_511 = vector.broadcast %neg3A_510 : f32 to vector<1024x1024xf32>
    %neg3A_512 = arith.subf %neg3A_511, %log3A_509 : vector<1024x1024xf32>
    %log3A_513 = math.log %neg3A_512 : vector<1024x1024xf32>
    %neg3A_514 = arith.constant 0.000000e+00 : f32
    %neg3A_515 = vector.broadcast %neg3A_514 : f32 to vector<1024x1024xf32>
    %neg3A_516 = arith.subf %neg3A_515, %log3A_513 : vector<1024x1024xf32>
    %get3A_517 = arith.constant 0 : index
    %get3A_518 = arith.constant 0 : index
    %get3A_519 = arith.constant 1024 : index
    %get3A_520 = vector.load %arg2[%get3A_517, %get3A_518, %get3A_519] : memref<1x1x2048xf32, #tpu.memory_space<vmem>>, vector<1x1x1024xf32>
    %get3A_521 = vector.shape_cast %get3A_520 : vector<1x1x1024xf32> to vector<1x1024xf32>
    %add3A_522 = vector.broadcast %get3A_521 : vector<1x1024xf32> to vector<1024x1024xf32>
    %add3A_523 = arith.addf %neg3A_516, %add3A_522 : vector<1024x1024xf32>
    %reduce_max3A_524 = arith.constant dense<0xFF800000> : vector<1024xf32>
    %reduce_max3A_525 = vector.multi_reduction <maximumf>, %add3A_523, %reduce_max3A_524 [1] : vector<1024x1024xf32> to vector<1024xf32>
    %broadcast_in_dim3A_526 = vector.shape_cast %reduce_max3A_525 : vector<1024xf32> to vector<1024x1xf32>
    %eq3A_527 = vector.broadcast %broadcast_in_dim3A_526 : vector<1024x1xf32> to vector<1024x1024xf32>
    %eq3A_528 = arith.cmpf oeq, %add3A_523, %eq3A_527 : vector<1024x1024xf32>
    %jit3A_529 = arith.constant 1024 : i32
    %broadcast_in_dim3A_530 = vector.broadcast %jit3A_529 : i32 to vector<1024x1024xi32>
    %select_n3A_531 = arith.select %eq3A_528, %iota3A_4, %broadcast_in_dim3A_530 : vector<1024x1024xi1>, vector<1024x1024xi32>
    %reduce_min3A_532 = arith.constant dense<2147483647> : vector<1024xi32>
    %reduce_min3A_533 = vector.multi_reduction <minsi>, %select_n3A_531, %reduce_min3A_532 [1] : vector<1024x1024xi32> to vector<1024xi32>
    %broadcast_in_dim3A_534 = vector.shape_cast %reduce_min3A_533 : vector<1024xi32> to vector<1024x1xi32>
    %get3A_535 = arith.constant 1 : index
    %get3A_536 = arith.index_cast %arg0 : i32 to index
    %get3A_537 = memref.load %arg1[%get3A_535, %get3A_536] : memref<2x128xi32, #tpu.memory_space<smem>>
    %gt3A_538 = arith.constant 0 : i32
    %gt3A_539 = arith.cmpi sgt, %get3A_537, %gt3A_538 : i32
    %slice3A_540 = vector.extract_strided_slice %iota3A {offsets = [0, 0], sizes = [1024, 1], strides = [1, 1]} : vector<1024x1024xi32> to vector<1024x1xi32>
    %select_n3A_541 = arith.select %gt3A_539, %broadcast_in_dim3A_534, %slice3A_540 : vector<1024x1xi32>
    %eq3A_542 = vector.broadcast %select_n3A_541 : vector<1024x1xi32> to vector<1024x1024xi32>
    %eq3A_543 = arith.cmpi eq, %iota3A_4, %eq3A_542 : vector<1024x1024xi32>
    %convert_element_type3A_544 = arith.extui %eq3A_543 : vector<1024x1024xi1> to vector<1024x1024xi32>
    %convert_element_type3A_545 = arith.sitofp %convert_element_type3A_544 : vector<1024x1024xi32> to vector<1024x1024xf32>
    %slice3A_546 = vector.extract_strided_slice %reshape3A {offsets = [0, 1024], sizes = [128, 1024], strides = [1, 1]} : vector<128x2048xf32> to vector<128x1024xf32>
    %dot_general3A_547 = arith.constant dense<0.000000e+00> : vector<128x1024xf32>
    %dot_general3A_548 = tpu.matmul %slice3A_546, %convert_element_type3A_545, %dot_general3A_547 {dimension_numbers = #tpu.dot_dimension_numbers<[1], [1], [0], [0], [0, 0, 1, 0], [], []>, precision = #tpu.contract_precision<fp32>, transpose_lhs_hint = false} : vector<128x1024xf32>, vector<1024x1024xf32>, vector<128x1024xf32> -> vector<128x1024xf32>
    %reshape3A_549 = vector.shape_cast %dot_general3A_548 : vector<128x1024xf32> to vector<2x64x1024xf32>
    %swap3A_550 = arith.constant 0 : index
    %swap3A_551 = arith.constant 0 : index
    %swap3A_552 = arith.constant 0 : index
    %swap3A_553 = arith.constant 1024 : index
    %swap3A_554 = vector.load %arg4[%swap3A_550, %swap3A_551, %swap3A_552, %swap3A_553] : memref<2x1x64x2048xf32, #tpu.memory_space<vmem>>, vector<2x1x64x1024xf32>
    %swap3A_555 = vector.shape_cast %swap3A_554 : vector<2x1x64x1024xf32> to vector<2x64x1024xf32>
    %swap3A_556 = vector.shape_cast %reshape3A_549 : vector<2x64x1024xf32> to vector<2x1x64x1024xf32>
    tpu.vector_store %arg4[%swap3A_550, %swap3A_551, %swap3A_552, %swap3A_553], %swap3A_556 {strides = array<i32>} : memref<2x1x64x2048xf32, #tpu.memory_space<vmem>>, vector<2x1x64x1024xf32>,
    return
  }
  func.func @transform_0(%arg0: i32) -> (i32, i32) {
    %c0_i32 = arith.constant 0 : i32
    %c0_i32_0 = arith.constant 0 : i32
    %c0_i32_1 = arith.constant 0 : i32
    return %c0_i32, %c0_i32_0 : i32, i32
  }
  func.func @transform_1(%arg0: i32) -> (i32, i32, i32) {
    %c0_i32 = arith.constant 0 : i32
    %c0_i32_0 = arith.constant 0 : i32
    %c0_i32_1 = arith.constant 0 : i32
    return %arg0, %c0_i32, %c0_i32_0 : i32, i32, i32
  }
  func.func @transform_2(%arg0: i32) -> (i32, i32, i32, i32) {
    %c0_i32 = arith.constant 0 : i32
    %c0_i32_0 = arith.constant 0 : i32
    %c0_i32_1 = arith.constant 0 : i32
    %c0_i32_2 = arith.constant 0 : i32
    return %c0_i32, %arg0, %c0_i32_0, %c0_i32_1 : i32, i32, i32, i32
  }
  func.func @transform_3(%arg0: i32) -> (i32, i32, i32, i32) {
    %c0_i32 = arith.constant 0 : i32
    %c0_i32_0 = arith.constant 0 : i32
    %c0_i32_1 = arith.constant 0 : i32
    %c0_i32_2 = arith.constant 0 : i32
    return %c0_i32, %arg0, %c0_i32_0, %c0_i32_1 : i32, i32, i32, i32
  }
}

</mosaic_0001>

<sc_bundles>
// kernel: gather_offload_async_start.1
scs
__scs_entry_jumppad:
0x0: {  	(pc) =	sbr.rel $0x88, $3  }
0x1: {  	(tag) =	ssettag $0x0;
	lr =	simm.s32 $0x1  }
0x2: {  	[smem:$0x3F9C] =	sst lr;
	_ =	strace $0xD0000000  }
0x3: {  	_ = 	snop  }
0x4: {  	_ = 	snop  }
0x5: {  	_ = 	snop  }
0x6: {  	_ = 	snop  }
0x7: {  	_ = 	snop  }
__scs_overlays_trampoline_lowered:
0x8: {  	[smem:$0x3FAB] =	sst s0  }
0x9: {  	[smem:$0x3FAC] =	sst s1  }
0xa: {  	[smem:$0x3FAD] =	sst s2  }
0xb: {  	[smem:$0x3FAE] =	sst s3  }
0xc: {  	[smem:$0x3FAF] =	sst s4  }
0xd: {  	[smem:$0x3FB0] =	sst s5  }
0xe: {  	[smem:$0x3FB1] =	sst s6  }
0xf: {  	[smem:$0x3FB2] =	sst s7  }
0x10: {  	[smem:$0x3FB3] =	sst s8  }
0x11: {  	[smem:$0x3FB4] =	sst s9;
	s0 =	simm.s32 @!p0 $0x0  }
0x12: {  	s1 =	sld [smem:$0x3F9A];
	s0 =	simm.s32 @p0 $0x1  }
0x13: {  	[smem:$0x3FB5] =	sst s0;
	s0 =	simm.s32 @!p1 $0x0  }
0x14: {  	s2 =	sld [smem:$0x3F99];
	s0 =	simm.s32 @p1 $0x1  }
0x15: {  	[smem:$0x3FB6] =	sst s0;
	s0 =	simm.s32 @!p2 $0x0  }
0x16: {  	s3 =	sld [smem:$0x3FDB];
	s0 =	simm.s32 @p2 $0x1  }
0x17: {  	s4 =	simm.s32 $0x1BF5;
	[smem:$0x3FB8] =	sst s0  }
0x18: {  	s0 =	sld [smem:$0x3F9B];
	_ =	swait.ge [sflag:s4], $0x0  }
0x19: {  	s7 =	sld [smem:$0x3F9C]  }
0x1a: {  	s8 =	sadd.s32 $0xFFFFE003, lr  }
0x1b: {  	s9 =	sadd.s32 $0xFFFFFEF7, lr;
	s5 =	simm.s32 $0xFFFFFFFF;
	p2 =	slt.u32 s8, $0xFFFFF086  }
0x1c: {  	p1 =	slt.u32 s9, $0xF7A;
	s5 =	simm.s32 @!p2 $0x0  }
0x1d: {  	s5 =	simm.s32 @p1 $0x1;
	p0 =	seq.s32 s7, s2  }
0x1e: {  	s7 =	smul.u32 @!p0 $0xF7A, s2;
	p2 =	seq.s32 @!p0 s5, $0x0  }
0x1f: {  	s9 =	smul.u32 $0xF7A, s1;
	s8 =	simm.s32 @!p0 $0x1BF5;
	p2 =	por !p2, p0  }
0x20: {  	[sflag:s8] =	ssyncset.s32 @!p0 $0xFFFFF086;
	s6 =	sadd.s32 @!p0 s3, s7;
	s7 =	simm.s32 @!p0 $0x108  }
0x21: {  	s3 =	sadd.s32 s3, s9;
	s6 =	sadd.s32 @!p0 $0x88, s6;
	s7 =	simm.s32 @p2 $0x1082  }
0x22: {  	[simem:s7], [sflag:s8] =	dma.local @!p0 [hbm:s6], $0xF7A  }
0x23: {  	s9 =	sor.u32 $0xD0000000, s2;
	s6 =	simm.s32 $0x108;
	_ =	swait.ge @!p0 [sflag:s8], $0x0  }
0x24: {  	s3 =	sadd.s32 $0x88, s3;
	s6 =	simm.s32 @!p1 $0x1082;
	[sflag:s4] =	ssyncset.s32 $0xFFFFF086  }
0x25: {  	[simem:s6], [sflag:s4] =	dma.local [hbm:s3], $0xF7A  }
0x26: {  	[smem:$0x3F9C] =	sst s1;
	(tag) =	ssettag s2;
	_ =	strace s9  }
0x27: {  	s1 =	sld [smem:$0x3FAC]  }
0x28: {  	s2 =	sld [smem:$0x3FAD]  }
0x29: {  	s4 =	sld [smem:$0x3FAF]  }
0x2a: {  	p0 =	seq.s32 s5, $0x0;
	s5 =	sld [smem:$0x3FB0]  }
0x2b: {  	s6 =	sld [smem:$0x3FB1]  }
0x2c: {  	s7 =	sld [smem:$0x3FB2]  }
0x2d: {  	s3 =	simm.s32 $0x108;
	s8 =	sld [smem:$0x3FB3]  }
0x2e: {  	s3 =	simm.s32 @!p0 $0x1082;
	s9 =	sld [smem:$0x3FB4]  }
0x2f: {  	lr =	sadd.s32 s0, s3;
	s0 =	sld [smem:$0x3FAB]  }
0x30: {  	s3 =	sld [smem:$0x3FAE]  }
0x31: {  	[smem:$0x3FB7] =	sst s10  }
0x32: {  	s10 =	sld [smem:$0x3FB5];
	_ =	sdelay $0x3  }
0x33: {  	p0 =	seq.s32 s10, $0x1;
	s10 =	sld [smem:$0x3FB7];
	_ =	sdelay $0x3  }
0x34: {  	[smem:$0x3FB7] =	sst s10  }
0x35: {  	s10 =	sld [smem:$0x3FB6];
	_ =	sdelay $0x3  }
0x36: {  	p1 =	seq.s32 s10, $0x1;
	s10 =	sld [smem:$0x3FB7];
	_ =	sdelay $0x3  }
0x37: {  	[smem:$0x3FB7] =	sst s10  }
0x38: {  	s10 =	sld [smem:$0x3FB8]  }
0x39: {  	_ = 	snop;
	(pc) =	sbr.ind lr, $3  }
0x3a: {  	_ = 	snop  }
0x3b: {  	_ = 	snop  }
0x3c: {  	p2 =	seq.s32 s10, $0x1;
	s10 =	sld [smem:$0x3FB7]  }
0x3d: {  	_ =	shalt  }
0x3e: {  	_ =	shalt  }
0x3f: {  	_ =	shalt  }
0x40: {  	_ =	shalt  }
0x41: {  	_ =	shalt  }
0x42: {  	_ =	shalt  }
0x43: {  	_ =	shalt  }
0x44: {  	_ =	shalt  }
0x45: {  	_ =	shalt  }
0x46: {  	_ =	shalt  }
0x47: {  	_ =	shalt  }
0x48: {  	_ =	shalt  }
0x49: {  	_ =	shalt  }
0x4a: {  	_ =	shalt  }
0x4b: {  	_ =	shalt  }
0x4c: {  	_ =	shalt  }
0x4d: {  	_ =	shalt  }
0x4e: {  	_ =	shalt  }
0x4f: {  	_ =	shalt  }
0x50: {  	_ =	shalt  }
0x51: {  	_ =	shalt  }
0x52: {  	_ =	shalt  }
0x53: {  	_ =	shalt  }
0x54: {  	_ =	shalt  }
0x55: {  	_ =	shalt  }
0x56: {  	_ =	shalt  }
0x57: {  	_ =	shalt  }
0x58: {  	_ =	shalt  }
0x59: {  	_ =	shalt  }
0x5a: {  	_ =	shalt  }
0x5b: {  	_ =	shalt  }
0x5c: {  	_ =	shalt  }
0x5d: {  	_ =	shalt  }
0x5e: {  	_ =	shalt  }
0x5f: {  	_ =	shalt  }
0x60: {  	_ =	shalt  }
0x61: {  	_ =	shalt  }
0x62: {  	_ =	shalt  }
0x63: {  	_ =	shalt  }
0x64: {  	_ =	shalt  }
0x65: {  	_ =	shalt  }
0x66: {  	_ =	shalt  }
0x67: {  	_ =	shalt  }
0x68: {  	_ =	shalt  }
0x69: {  	_ =	shalt  }
0x6a: {  	_ =	shalt  }
0x6b: {  	_ =	shalt  }
0x6c: {  	_ =	shalt  }
0x6d: {  	_ =	shalt  }
0x6e: {  	_ =	shalt  }
0x6f: {  	_ =	shalt  }
0x70: {  	_ =	shalt  }
0x71: {  	_ =	shalt  }
0x72: {  	_ =	shalt  }
0x73: {  	_ =	shalt  }
0x74: {  	_ =	shalt  }
0x75: {  	_ =	shalt  }
0x76: {  	_ =	shalt  }
0x77: {  	_ =	shalt  }
0x78: {  	_ =	shalt  }
0x79: {  	_ =	shalt  }
0x7a: {  	_ =	shalt  }
0x7b: {  	_ =	shalt  }
0x7c: {  	_ =	shalt  }
0x7d: {  	_ =	shalt  }
0x7e: {  	_ =	shalt  }
0x7f: {  	_ =	shalt  }
0x80: {  	_ =	shalt  }
0x81: {  	_ =	shalt  }
0x82: {  	_ =	shalt  }
0x83: {  	_ =	shalt  }
0x84: {  	_ =	shalt  }
0x85: {  	_ =	shalt  }
0x86: {  	_ =	shalt  }
0x87: {  	_ =	shalt  }
.Lfunc_end0:
.L_simem_size_0:
called_computation.1_lowered:
.L_overlay_start_0:
0x88: {  	s2 =	sld [smem:$0x3FD9]  }
0x89: {  	s3 =	sld [smem:$0x3FFE];
	_ =	sdelay $0x1  }
0x8a: {  	s1 =	srdreg.scid  }
0x8b: {  	s0 =	sand.u32 $0x1, s1  }
0x8c: {  	s14 =	sshll.u32 s0, $0xA;
	s2 =	sadd.s32 s3, s2  }
0x8d: {  	s2 =	sadd.s32 s2, s14  }
0x8e: {  	[smem:$0x3FC3] =	sst s2  }
0x8f: {  	_ = 	snop  }
0x90: {  	s2 =	sld [smem:$0x3FD0];
	_ =	sdelay $0x2  }
0x91: {  	s15 =	simm.s32 $0xA;
	s4 =	simm.s32 $0x10  }
0x92: {  	[smem:s4], [sflag:s15] =	dma.local [hbm:s2], $0x1  }
0x93: {  	_ =	swait.eq [sflag:s15], $0x1  }
0x94: {  	[sflag:s15] =	ssyncset.done $0x0  }
0x95: {  	[sflag:s15] =	ssyncadd.s32 $0xFFFFFFFF  }
0x96: {  	s16 =	sld [smem:$0x10];
	(tm) =	ssettm $0x1  }
0x97: {  	s17 =	sld [smem:$0x3FFB];
	_ =	sdelay $0x3  }
0x98: {  	_ =	strace s17  }
0x99: {  	s3 =	sld [smem:$0x3FFC];
	_ =	sdelay $0x3  }
0x9a: {  	_ =	strace s3  }
0x9b: {  	s3 =	sld [smem:$0x3FFD];
	_ =	sdelay $0x3  }
0x9c: {  	_ =	strace s3  }
0x9d: {  	_ =	strace $0x8FFFFFFF  }
0x9e: {  	s18 =	sld [smem:$0x3FDB];
	_ =	sdelay $0x1  }
0x9f: {  	s19 =	simm.s32 $_scs_section_size  }
0xa0: {  	s5 =	simm.s32 $_size__tile_overlayer_lowered;
	s6 =	simm.s32 $_tile_overlayer_lowered  }
0xa1: {  	s22 =	simm.s32 $0x1BFF;
	s21 =	sshll.u32 s6, $0x1;
	s3 =	sadd.s32 s19, s18  }
0xa2: {  	s7 =	simm.s32 $0x0;
	s20 =	sshll.u32 s5, $0x1;
	s5 =	sadd.s32 s21, s3  }
0xa3: {  	[timem:s7], [sflag:s22] =	dma.local [hbm:s5], s20  }
0xa4: {  	_ =	swait.ge [sflag:s22], s20  }
0xa5: {  	s4 =	ssub.s32 $0x0, s20;
	[sflag:s22] =	ssyncset.done $0x0  }
0xa6: {  	[sflag:s22] =	ssyncadd.s32 s4;
	_ =	sdelay $0x1  }
0xa7: {  	s23 =	simm.s32 $0x1B8B  }
0xa8: {  	_ =	swait.ge [sflag:s23], $0x1  }
0xa9: {  	[sflag:s23] =	ssyncset.done $0x0  }
0xaa: {  	s25 =	simm.s32 $0x1B8E;
	s24 =	sld [smem:$0x3FFE];
	[sflag:s23] =	ssyncadd.s32 $0xFFFFFFFF  }
0xab: {  	s26 =	simm.s32 $execute0_lowered;
	[smem:$0x3FD2] =	sst s25  }
0xac: {  	s5 =	sshll.u32 s26, $0x1;
	_ =	strace $0x8000004C;
	[dreg:$0x1] =	wrdreg $0xFFFFFFFF  }
0xad: {  	s28 =	simm.s32 $_size_execute0_lowered;
	s3 =	sadd.s32 s3, s5;
	[dreg:$0x0] =	wrdreg $0x0  }
0xae: {  	s5 =	sshll.u32 s28, $0x1;
	[dreg:$0x2] =	wrdreg s3  }
0xaf: {  	[dreg:$0x3] =	wrdreg s5  }
0xb0: {  	[dreg:$0x4] =	wrdreg $0xC0  }
0xb1: {  	_ =	task [dreg:s7], $0x5FFFF  }
0xb2: {  	[dreg:$0x1] =	wrdreg $0xFFFFFFFF  }
0xb3: {  	[dreg:$0x0] =	wrdreg $0x60  }
0xb4: {  	[dreg:$0x2] =	wrdreg s16  }
0xb5: {  	[dreg:$0x3] =	wrdreg s24  }
0xb6: {  	[dreg:$0x4] =	wrdreg $0x9  }
0xb7: {  	_ =	task.clear_ibuf [dreg:s7], $0x5FFFF;
	_ =	strace $0x9000004C  }
0xb8: {  	s29 =	simm.s32 $0x9;
	_ =	strace $0x8000004E  }
0xb9: {  	_ =	swait.ge [sflag:s29], $0x1  }
0xba: {  	[sflag:s29] =	ssyncadd.s32 $0xFFFFFFFF  }
0xbb: {  	_ =	strace $0x9000004E  }
0xbc: {  	_ =	sfence  }
0xbd: {  	s30 =	sld [smem:$0x0];
	_ =	sdelay $0x2  }
0xbe: {  	s31 =	sshll.u32 s1, $0xD;
	s1 =	sshrl.u32 s1, $0x2  }
0xbf: {  	s3 =	sand.u32 $0x4000, s31;
	s1 =	sadd.s32 s1, s30  }
0xc0: {  	s0 =	sor.u32 s3, s0;
	s1 =	sshll.u32 s1, $0x11  }
0xc1: {  	s0 =	sor.u32 s1, s0  }
0xc2: {  	s0 =	sadd.s32 $0x8F2B, s0  }
0xc3: {  	[sflag:s0] =	ssyncadd.remote.s32 $0x1  }
0xc4: {  	_ =	sfence.sel $0xFFFF  }
0xc5: {  	[dreg:$0x0] =	wrdreg $0xFFFFFFFF;
	(pc) =	sbr.abs _section_cstart, $3  }
0xc6: {  	[dreg:$0x1] =	wrdreg $0xFFFFFFFF  }
0xc7: {  	_ =	task.clear_ibuf [dreg:s7], $0x2FFFF;
	_ =	strace $0x9FFFFFFF  }
0xc8: {  	(tm) =	ssettm $0x7FFFFFFF  }
0xc9: {  	_ =	shalt  }
tec
execute0_lowered:
.L_overlay_start_1:
0x0: {  	(tag) =	ssettag $0x1  }
0x1: {  	s2 =	rddreg [dreg:$0x0]  }
0x2: {  	s7 =	rddreg [dreg:$0x1]  }
0x3: {  	s0 =	rddreg [dreg:$0x2]  }
0x4: {  	s1 =	srdreg.scid;
	_ =	strace $0x8000004D;
	s4 =	simm.s32 $0x1  }
0x5: {  	s9 =	simm.s32 $0x3;
	s12 =	simm.s32 $0x0;
	s5 =	sshll.u32 s1, $0x4  }
.Ltmp0:
0x6: {  	s1 =	stileid.u32;
	s5 =	sand.u32 $0x10, s5;
	(pc) =	sbr.rel .LBB2_1-.Ltmp0, $4  }
0x7: {  	s10 =	simm.s32 $0x0;
	s3 =	sadd.s32 $0x1000, s7;
	s6 =	sor.u32 s1, s5  }
0x8: {  	[sflag:s4] =	ssyncpa.u1 $0x0;
	s5 =	simm.s32 $0x2;
	s6 =	sshll.u32 s6, $0x6  }
0x9: {  	s7 =	sadd.s32 $0x1200, s7;
	[sflag:s5] =	ssyncpa.u1 $0x0;
	s8 =	sadd.s32 $0x40, s6  }
0xa: {  	vm0 =	vmmov $0xff;
	vm1 =	vcmask $0x3F20;
	[sflag:s9] =	ssyncpa.u1 $0x0;
	s9 =	simm.s32 $0x40;
	s11 =	smov.u32 s6  }
.LBB2_9:
0xb: {  	p0 =	seq.s32 s10, $0x2  }
.Ltmp1:
0xc: {  	_ = 	snop;
	(pc) =	sbr.rel @p0 .LBB2_11-.Ltmp1, $1  }
0xd: {  	_ =	sdelay $0x3  }
.LBB2_10:
0xe: {  	s12 =	sadd.s32 $0x40, s11  }
0xf: {  	s13 =	smov.u32 s6;
	p0 =	slt.s32 s12, s8  }
0x10: {  	s13 =	smov.u32 @p0 s12  }
0x11: {  	s10 =	sadd.s32 $0x1, s10;
	s12 =	smov.u32 s11;
	s11 =	smov.u32 s13  }
.LBB2_1:
0x12: {  	p0 =	sne.s32 s10, $0x0  }
.Ltmp2:
0x13: {  	_ = 	snop;
	(pc) =	sbr.rel @!p0 .LBB2_2-.Ltmp2, $1  }
0x14: {  	_ =	sdelay $0x3  }
0x15: {  	s13 =	sand.u32 $0x1, s10  }
0x16: {  	p0 =	seq.s32 s13, $0x0  }
.Ltmp3:
0x17: {  	_ = 	snop;
	(pc) =	sbr.rel @p0 .LBB2_9-.Ltmp3, $1  }
0x18: {  	_ =	sdelay $0x3  }
0x19: {  	_ =	swait.ge [sflag:s5], $0x40  }
0x1a: {  	[sflag:s5] =	ssyncset.done $0x0  }
0x1b: {  	s13 =	simm.s32 $0x0;
	[sflag:s5] =	ssyncadd.s32 $0xFFFFFFC0  }
0x1c: {  	v0 =	vld.msk [tilespmem:s13+$0x40 ss:$0x1], $0xffff;
	_ =	sdelay $0x4  }
0x1d: {  	vm2 =	veq.s32 v0, $0x80000000;
	v1 =	vand.u32 $0x780, v0;
	v0 =	vshll.u32 v0, $0xB  }
0x1e: {  	v1 =	vsel vm2, $0xFFFFFF80, v1;
	v0 =	vand.u32 $0x3F800, v0  }
0x1f: {  	v0 =	vsel vm2, $0xFFFFF800, v0;
	v2 =	vand.u32 $0xFFFFFC00, v1  }
0x20: {  	v1 =	vand.u32 $0x380, v1;
	v0 =	vadd.s32 v2, v0  }
0x21: {  	v0 =	vor.u32 v1, v0  }
0x22: {  	v0 =	vshrl.u32 v0, $0x3;
	_ =	sdelay $0x3  }
0x23: {  	s13 =	simm.s32 $0x2080  }
0x24: {  	[tilespmem:s13], [sflag:$0x1] =	stream.indirect_vreg.gather [hbm:s2], $0x80, v0, vm0, $0x38;
	[tilespmem:$0x4080] =	vst v63  }
0x25: {  	s14 =	simm.s32 $0x2480;
	s31 =	simm.s32 $0x10  }
0x26: {  	[tilespmem:s14], [sflag:$0x1] =	stream.indirect_vreg.gather [hbm:s2], $0x80, v0, vm1, $0x38;
	[tilespmem:$0x4080] =	vst v63  }
0x27: {  	s14 =	simm.s32 $0x80;
	v0 =	vld.msk [tilespmem:s31+$0x40 ss:$0x1], $0xffff  }
.LBB2_5:
0x28: {  	p0 =	sne.s32 s14, $0xC0;
	_ =	sdelay $0x4  }
0x29: {  	vm2 =	veq.s32 v0, $0x80000000;
	v1 =	vand.u32 $0x780, v0;
	v0 =	vshll.u32 v0, $0xB  }
0x2a: {  	v1 =	vsel vm2, $0xFFFFFF80, v1;
	v0 =	vand.u32 $0x3F800, v0  }
0x2b: {  	v0 =	vsel vm2, $0xFFFFF800, v0;
	v2 =	vand.u32 $0xFFFFFC00, v1  }
0x2c: {  	v1 =	vand.u32 $0x380, v1;
	v0 =	vadd.s32 v2, v0  }
0x2d: {  	v0 =	vor.u32 v1, v0  }
0x2e: {  	v0 =	vshrl.u32 v0, $0x3;
	_ =	sdelay $0x3  }
.Ltmp4:
0x2f: {  	s13 =	sadd.s32 $0x800, s13;
	(pc) =	sbr.rel @p0 .LBB2_5-.Ltmp4, $4  }
0x30: {  	[tilespmem:s13], [sflag:$0x1] =	stream.indirect_vreg.gather [hbm:s2], $0x80, v0, vm0, $0x38;
	[tilespmem:$0x4080] =	vst v63  }
0x31: {  	s15 =	sshra.s32 s14, $0x2;
	s16 =	sadd.s32 $0x400, s13  }
0x32: {  	[tilespmem:s16], [sflag:$0x1] =	stream.indirect_vreg.gather [hbm:s2], $0x80, v0, vm1, $0x38;
	[tilespmem:$0x4080] =	vst v63  }
0x33: {  	s14 =	sadd.s32 $0x40, s14;
	v0 =	vld.msk [tilespmem:s15+$0x40 ss:$0x1], $0xffff  }
0x34: {  	_ =	sdelay $0x3  }
0x35: {  	vm2 =	veq.s32 v0, $0x80000000;
	v1 =	vand.u32 $0x780, v0;
	v63 =	vshll.u32 v0, $0xB  }
0x36: {  	v1 =	vsel vm2, $0xFFFFFF80, v1;
	v0 =	vand.u32 $0x3F800, v63  }
0x37: {  	v0 =	vsel vm2, $0xFFFFF800, v0;
	v2 =	vand.u32 $0xFFFFFC00, v1  }
0x38: {  	v1 =	vand.u32 $0x380, v1;
	v0 =	vadd.s32 v2, v0  }
0x39: {  	v0 =	vor.u32 v1, v0  }
0x3a: {  	v0 =	vshrl.u32 v0, $0x3;
	_ =	sdelay $0x3  }
0x3b: {  	s13 =	sadd.s32 $0x800, s13  }
0x3c: {  	[tilespmem:s13], [sflag:$0x1] =	stream.indirect_vreg.gather [hbm:s2], $0x80, v0, vm0, $0x38;
	[tilespmem:$0x4080] =	vst v63  }
0x3d: {  	s13 =	sadd.s32 $0x400, s13  }
0x3e: {  	[tilespmem:s13], [sflag:$0x1] =	stream.indirect_vreg.gather [hbm:s2], $0x80, v0, vm1, $0x38;
	[tilespmem:$0x4080] =	vst v63  }
0x3f: {  	s12 =	sshll.u32 s12, $0x4;
	s14 =	simm.s32 $0x80;
	_ =	swait.ge [sflag:s4], $0x2000  }
0x40: {  	s15 =	simm.s32 $0x2480;
	s12 =	sadd.s32 s12, s7;
	[sflag:s4] =	ssyncset.done $0x0  }
0x41: {  	s16 =	sadd.s32 $0x0, s12;
	s13 =	simm.s32 $0x2080;
	[sflag:s4] =	ssyncadd.s32 $0xFFFFE000  }
.LBB2_7:
0x42: {  	[hbm:s16] =	stream.linear.scatter [tilespmem:s13], [sflag:$0x3], $0x400, $0x38;
	[tilespmem:$0x4080] =	vst v63  }
0x43: {  	s16 =	smov.u32 s14;
	s13 =	smov.u32 s15;
	p0 =	sne.s32 s14, $0x380  }
.Ltmp5:
0x44: {  	s14 =	sadd.s32 $0x80, s14;
	(pc) =	sbr.rel @p0 .LBB2_7-.Ltmp5, $2  }
0x45: {  	_ =	sdelay $0x2  }
0x46: {  	s15 =	sadd.s32 $0x400, s15;
	s16 =	sadd.s32 s16, s12  }
.Ltmp6:
0x47: {  	(pc) =	sbr.rel .LBB2_9-.Ltmp6, $2  }
0x48: {  	_ =	sdelay $0x2  }
0x49: {  	[hbm:s16] =	stream.linear.scatter [tilespmem:s13], [sflag:$0x3], $0x400, $0x38;
	[tilespmem:$0x4080] =	vst v63  }
.LBB2_2:
.Ltmp7:
0x4a: {  	(pc) =	sbr.rel .LBB2_10-.Ltmp7, $4  }
0x4b: {  	_ = 	snop  }
0x4c: {  	s12 =	sshrl.u32 s11, $0x3  }
0x4d: {  	s13 =	sand.u32 $0x7, s11;
	s12 =	sadd.s32 s3, s12  }
0x4e: {  	[tilespmem:s9], [sflag:$0x2] =	stream.linear.gather [hbm4b:s12+s13], $0x40, $0x38;
	[tilespmem:$0x4080] =	vst v63  }
.LBB2_11:
0x4f: {  	s2 =	simm.s32 $0x3  }
0x50: {  	_ =	swait.ge [sflag:s2], $0x2000  }
0x51: {  	[sflag:s2] =	ssyncset.done $0x0  }
0x52: {  	[sflag:s2] =	ssyncadd.s32 $0xFFFFE000  }
0x53: {  	_ =	sfence.sel $0x180000  }
0x54: {  	s3 =	simm.s32 $0x2;
	[bflag:$0x0] =	sbarrier.arrive $0xFFFF  }
0x55: {  	[sflag:s3] =	ssyncpa.u1 $0x1  }
0x56: {  	s31 =	simm.s32 $0x1;
	[sflag:s2] =	ssyncpa.u1 $0x1  }
0x57: {  	[sflag:s31] =	ssyncpa.u1 $0x1  }
0x58: {  	p0 =	sne.s32 s1, $0x0;
	_ =	strace $0x9000004D  }
0x59: {  	s0 =	sadd.s32 @!p0 $0x100000, s0;
	[bflag:$0x2] =	sbarrier.arrive $0xFFFF  }
0x5a: {  	[sflag:s0] =	ssyncadd.tile.s32 @!p0 $0x1;
	_ =	shalt  }
.Lfunc_end2:
_tile_overlayer_lowered:
.L_overlay_start_2:
0x5b: {  	(tag) =	ssettag $0x2  }
0x5c: {  	s0 =	rddreg [dreg:$0x0];
	s2 =	stileid.u32  }
0x5d: {  	s1 =	rddreg [dreg:$0x1];
	p0 =	sne.s32 s2, $0x0  }
0x5e: {  	s3 =	rddreg [dreg:$0x2];
	[bflag:$0x3] =	sbarrier.arrive $0xFFFF;
	s2 =	simm.s32 @!p0 $0x1C01  }
0x5f: {  	[timem:s3], [sflag:s2] =	dma.local @!p0 [hbm:s0], s1  }
0x60: {  	s0 =	simm.s32 @!p0 $0x1  }
0x61: {  	_ =	swait.ge @!p0 [sflag:s0], s1  }
0x62: {  	s1 =	ssub.s32 @!p0 $0x0, s1;
	[sflag:s0] =	ssyncset.done @!p0 $0x0  }
0x63: {  	[sflag:s0] =	ssyncadd.s32 @!p0 s1  }
0x64: {  	[bflag:$0x3] =	sbarrier.arrive $0xFFFF  }
0x65: {  	_ =	shalt  }

// kernel: gather_offload_async_start.2
scs
__scs_entry_jumppad:
0x0: {  	(pc) =	sbr.rel $0x88, $3  }
0x1: {  	(tag) =	ssettag $0x0;
	lr =	simm.s32 $0x1  }
0x2: {  	[smem:$0x3F9C] =	sst lr;
	_ =	strace $0xD0000000  }
0x3: {  	_ = 	snop  }
0x4: {  	_ = 	snop  }
0x5: {  	_ = 	snop  }
0x6: {  	_ = 	snop  }
0x7: {  	_ = 	snop  }
__scs_overlays_trampoline_lowered:
0x8: {  	[smem:$0x3FAB] =	sst s0  }
0x9: {  	[smem:$0x3FAC] =	sst s1  }
0xa: {  	[smem:$0x3FAD] =	sst s2  }
0xb: {  	[smem:$0x3FAE] =	sst s3  }
0xc: {  	[smem:$0x3FAF] =	sst s4  }
0xd: {  	[smem:$0x3FB0] =	sst s5  }
0xe: {  	[smem:$0x3FB1] =	sst s6  }
0xf: {  	[smem:$0x3FB2] =	sst s7  }
0x10: {  	[smem:$0x3FB3] =	sst s8  }
0x11: {  	[smem:$0x3FB4] =	sst s9;
	s0 =	simm.s32 @!p0 $0x0  }
0x12: {  	s1 =	sld [smem:$0x3F9A];
	s0 =	simm.s32 @p0 $0x1  }
0x13: {  	[smem:$0x3FB5] =	sst s0;
	s0 =	simm.s32 @!p1 $0x0  }
0x14: {  	s2 =	sld [smem:$0x3F99];
	s0 =	simm.s32 @p1 $0x1  }
0x15: {  	[smem:$0x3FB6] =	sst s0;
	s0 =	simm.s32 @!p2 $0x0  }
0x16: {  	s3 =	sld [smem:$0x3FDB];
	s0 =	simm.s32 @p2 $0x1  }
0x17: {  	s4 =	simm.s32 $0x1BF5;
	[smem:$0x3FB8] =	sst s0  }
0x18: {  	s0 =	sld [smem:$0x3F9B];
	_ =	swait.ge [sflag:s4], $0x0  }
0x19: {  	s7 =	sld [smem:$0x3F9C]  }
0x1a: {  	s8 =	sadd.s32 $0xFFFFE003, lr  }
0x1b: {  	s9 =	sadd.s32 $0xFFFFFEF7, lr;
	s5 =	simm.s32 $0xFFFFFFFF;
	p2 =	slt.u32 s8, $0xFFFFF086  }
0x1c: {  	p1 =	slt.u32 s9, $0xF7A;
	s5 =	simm.s32 @!p2 $0x0  }
0x1d: {  	s5 =	simm.s32 @p1 $0x1;
	p0 =	seq.s32 s7, s2  }
0x1e: {  	s7 =	smul.u32 @!p0 $0xF7A, s2;
	p2 =	seq.s32 @!p0 s5, $0x0  }
0x1f: {  	s9 =	smul.u32 $0xF7A, s1;
	s8 =	simm.s32 @!p0 $0x1BF5;
	p2 =	por !p2, p0  }
0x20: {  	[sflag:s8] =	ssyncset.s32 @!p0 $0xFFFFF086;
	s6 =	sadd.s32 @!p0 s3, s7;
	s7 =	simm.s32 @!p0 $0x108  }
0x21: {  	s3 =	sadd.s32 s3, s9;
	s6 =	sadd.s32 @!p0 $0x88, s6;
	s7 =	simm.s32 @p2 $0x1082  }
0x22: {  	[simem:s7], [sflag:s8] =	dma.local @!p0 [hbm:s6], $0xF7A  }
0x23: {  	s9 =	sor.u32 $0xD0000000, s2;
	s6 =	simm.s32 $0x108;
	_ =	swait.ge @!p0 [sflag:s8], $0x0  }
0x24: {  	s3 =	sadd.s32 $0x88, s3;
	s6 =	simm.s32 @!p1 $0x1082;
	[sflag:s4] =	ssyncset.s32 $0xFFFFF086  }
0x25: {  	[simem:s6], [sflag:s4] =	dma.local [hbm:s3], $0xF7A  }
0x26: {  	[smem:$0x3F9C] =	sst s1;
	(tag) =	ssettag s2;
	_ =	strace s9  }
0x27: {  	s1 =	sld [smem:$0x3FAC]  }
0x28: {  	s2 =	sld [smem:$0x3FAD]  }
0x29: {  	s4 =	sld [smem:$0x3FAF]  }
0x2a: {  	p0 =	seq.s32 s5, $0x0;
	s5 =	sld [smem:$0x3FB0]  }
0x2b: {  	s6 =	sld [smem:$0x3FB1]  }
0x2c: {  	s7 =	sld [smem:$0x3FB2]  }
0x2d: {  	s3 =	simm.s32 $0x108;
	s8 =	sld [smem:$0x3FB3]  }
0x2e: {  	s3 =	simm.s32 @!p0 $0x1082;
	s9 =	sld [smem:$0x3FB4]  }
0x2f: {  	lr =	sadd.s32 s0, s3;
	s0 =	sld [smem:$0x3FAB]  }
0x30: {  	s3 =	sld [smem:$0x3FAE]  }
0x31: {  	[smem:$0x3FB7] =	sst s10  }
0x32: {  	s10 =	sld [smem:$0x3FB5];
	_ =	sdelay $0x3  }
0x33: {  	p0 =	seq.s32 s10, $0x1;
	s10 =	sld [smem:$0x3FB7];
	_ =	sdelay $0x3  }
0x34: {  	[smem:$0x3FB7] =	sst s10  }
0x35: {  	s10 =	sld [smem:$0x3FB6];
	_ =	sdelay $0x3  }
0x36: {  	p1 =	seq.s32 s10, $0x1;
	s10 =	sld [smem:$0x3FB7];
	_ =	sdelay $0x3  }
0x37: {  	[smem:$0x3FB7] =	sst s10  }
0x38: {  	s10 =	sld [smem:$0x3FB8]  }
0x39: {  	_ = 	snop;
	(pc) =	sbr.ind lr, $3  }
0x3a: {  	_ = 	snop  }
0x3b: {  	_ = 	snop  }
0x3c: {  	p2 =	seq.s32 s10, $0x1;
	s10 =	sld [smem:$0x3FB7]  }
0x3d: {  	_ =	shalt  }
0x3e: {  	_ =	shalt  }
0x3f: {  	_ =	shalt  }
0x40: {  	_ =	shalt  }
0x41: {  	_ =	shalt  }
0x42: {  	_ =	shalt  }
0x43: {  	_ =	shalt  }
0x44: {  	_ =	shalt  }
0x45: {  	_ =	shalt  }
0x46: {  	_ =	shalt  }
0x47: {  	_ =	shalt  }
0x48: {  	_ =	shalt  }
0x49: {  	_ =	shalt  }
0x4a: {  	_ =	shalt  }
0x4b: {  	_ =	shalt  }
0x4c: {  	_ =	shalt  }
0x4d: {  	_ =	shalt  }
0x4e: {  	_ =	shalt  }
0x4f: {  	_ =	shalt  }
0x50: {  	_ =	shalt  }
0x51: {  	_ =	shalt  }
0x52: {  	_ =	shalt  }
0x53: {  	_ =	shalt  }
0x54: {  	_ =	shalt  }
0x55: {  	_ =	shalt  }
0x56: {  	_ =	shalt  }
0x57: {  	_ =	shalt  }
0x58: {  	_ =	shalt  }
0x59: {  	_ =	shalt  }
0x5a: {  	_ =	shalt  }
0x5b: {  	_ =	shalt  }
0x5c: {  	_ =	shalt  }
0x5d: {  	_ =	shalt  }
0x5e: {  	_ =	shalt  }
0x5f: {  	_ =	shalt  }
0x60: {  	_ =	shalt  }
0x61: {  	_ =	shalt  }
0x62: {  	_ =	shalt  }
0x63: {  	_ =	shalt  }
0x64: {  	_ =	shalt  }
0x65: {  	_ =	shalt  }
0x66: {  	_ =	shalt  }
0x67: {  	_ =	shalt  }
0x68: {  	_ =	shalt  }
0x69: {  	_ =	shalt  }
0x6a: {  	_ =	shalt  }
0x6b: {  	_ =	shalt  }
0x6c: {  	_ =	shalt  }
0x6d: {  	_ =	shalt  }
0x6e: {  	_ =	shalt  }
0x6f: {  	_ =	shalt  }
0x70: {  	_ =	shalt  }
0x71: {  	_ =	shalt  }
0x72: {  	_ =	shalt  }
0x73: {  	_ =	shalt  }
0x74: {  	_ =	shalt  }
0x75: {  	_ =	shalt  }
0x76: {  	_ =	shalt  }
0x77: {  	_ =	shalt  }
0x78: {  	_ =	shalt  }
0x79: {  	_ =	shalt  }
0x7a: {  	_ =	shalt  }
0x7b: {  	_ =	shalt  }
0x7c: {  	_ =	shalt  }
0x7d: {  	_ =	shalt  }
0x7e: {  	_ =	shalt  }
0x7f: {  	_ =	shalt  }
0x80: {  	_ =	shalt  }
0x81: {  	_ =	shalt  }
0x82: {  	_ =	shalt  }
0x83: {  	_ =	shalt  }
0x84: {  	_ =	shalt  }
0x85: {  	_ =	shalt  }
0x86: {  	_ =	shalt  }
0x87: {  	_ =	shalt  }
.Lfunc_end0:
.L_simem_size_0:
called_computation.2_lowered:
.L_overlay_start_0:
0x88: {  	s2 =	sld [smem:$0x3FD9]  }
0x89: {  	s3 =	sld [smem:$0x3FFE];
	_ =	sdelay $0x1  }
0x8a: {  	s1 =	srdreg.scid  }
0x8b: {  	s0 =	sand.u32 $0x1, s1  }
0x8c: {  	s16 =	sshll.u32 s0, $0xA;
	s2 =	sadd.s32 s3, s2  }
0x8d: {  	s2 =	sadd.s32 s2, s16  }
0x8e: {  	[smem:$0x3FC3] =	sst s2  }
0x8f: {  	_ = 	snop  }
0x90: {  	(tm) =	ssettm $0x1  }
0x91: {  	s17 =	sld [smem:$0x3FFB];
	_ =	sdelay $0x3  }
0x92: {  	_ =	strace s17  }
0x93: {  	s2 =	sld [smem:$0x3FFC];
	_ =	sdelay $0x3  }
0x94: {  	_ =	strace s2  }
0x95: {  	s2 =	sld [smem:$0x3FFD];
	_ =	sdelay $0x3  }
0x96: {  	_ =	strace s2  }
0x97: {  	_ =	strace $0x8FFFFFFF  }
0x98: {  	s18 =	sld [smem:$0x3FDB];
	_ =	sdelay $0x1  }
0x99: {  	s19 =	simm.s32 $_scs_section_size  }
0x9a: {  	s4 =	simm.s32 $_size__tile_overlayer_lowered;
	s5 =	simm.s32 $_tile_overlayer_lowered  }
0x9b: {  	s22 =	simm.s32 $0x1BFF;
	s21 =	sshll.u32 s5, $0x1;
	s2 =	sadd.s32 s19, s18  }
0x9c: {  	s6 =	simm.s32 $0x0;
	s20 =	sshll.u32 s4, $0x1;
	s4 =	sadd.s32 s21, s2  }
0x9d: {  	[timem:s6], [sflag:s22] =	dma.local [hbm:s4], s20  }
0x9e: {  	_ =	swait.ge [sflag:s22], s20  }
0x9f: {  	s3 =	ssub.s32 $0x0, s20;
	[sflag:s22] =	ssyncset.done $0x0  }
0xa0: {  	[sflag:s22] =	ssyncadd.s32 s3;
	_ =	sdelay $0x1  }
0xa1: {  	s23 =	simm.s32 $0x1B8B  }
0xa2: {  	_ =	swait.ge [sflag:s23], $0x1  }
0xa3: {  	[sflag:s23] =	ssyncset.done $0x0  }
0xa4: {  	s25 =	simm.s32 $0x1B8E;
	s24 =	sld [smem:$0x3FFE];
	[sflag:s23] =	ssyncadd.s32 $0xFFFFFFFF  }
0xa5: {  	s26 =	simm.s32 $execute0_lowered;
	[smem:$0x3FD2] =	sst s25  }
0xa6: {  	s4 =	sshll.u32 s26, $0x1;
	_ =	strace $0x80000049;
	[dreg:$0x1] =	wrdreg $0xFFFFFFFF  }
0xa7: {  	s28 =	simm.s32 $_size_execute0_lowered;
	s2 =	sadd.s32 s2, s4;
	[dreg:$0x0] =	wrdreg $0x0  }
0xa8: {  	s4 =	sshll.u32 s28, $0x1;
	[dreg:$0x2] =	wrdreg s2  }
0xa9: {  	[dreg:$0x3] =	wrdreg s4  }
0xaa: {  	[dreg:$0x4] =	wrdreg $0xC0  }
0xab: {  	_ =	task [dreg:s6], $0x5FFFF  }
0xac: {  	[dreg:$0x1] =	wrdreg $0xFFFFFFFF  }
0xad: {  	[dreg:$0x0] =	wrdreg $0x60  }
0xae: {  	[dreg:$0x2] =	wrdreg s24  }
0xaf: {  	[dreg:$0x3] =	wrdreg $0x9  }
0xb0: {  	_ =	task.clear_ibuf [dreg:s6], $0x4FFFF;
	_ =	strace $0x90000049  }
0xb1: {  	s29 =	simm.s32 $0x9;
	_ =	strace $0x8000004B  }
0xb2: {  	_ =	swait.ge [sflag:s29], $0x1  }
0xb3: {  	[sflag:s29] =	ssyncadd.s32 $0xFFFFFFFF  }
0xb4: {  	_ =	strace $0x9000004B  }
0xb5: {  	_ =	sfence  }
0xb6: {  	s30 =	sld [smem:$0x0];
	_ =	sdelay $0x2  }
0xb7: {  	s31 =	sshll.u32 s1, $0xD;
	s1 =	sshrl.u32 s1, $0x2  }
0xb8: {  	s3 =	sand.u32 $0x4000, s31;
	s1 =	sadd.s32 s1, s30  }
0xb9: {  	s0 =	sor.u32 s3, s0;
	s1 =	sshll.u32 s1, $0x11  }
0xba: {  	s0 =	sor.u32 s1, s0  }
0xbb: {  	s0 =	sadd.s32 $0x8F2B, s0  }
0xbc: {  	[sflag:s0] =	ssyncadd.remote.s32 $0x1  }
0xbd: {  	_ =	sfence.sel $0xFFFF  }
0xbe: {  	[dreg:$0x0] =	wrdreg $0xFFFFFFFF;
	(pc) =	sbr.abs _section_cstart, $3  }
0xbf: {  	[dreg:$0x1] =	wrdreg $0xFFFFFFFF  }
0xc0: {  	_ =	task.clear_ibuf [dreg:s6], $0x2FFFF;
	_ =	strace $0x9FFFFFFF  }
0xc1: {  	(tm) =	ssettm $0x7FFFFFFF  }
tec
execute0_lowered:
.L_overlay_start_1:
0x0: {  	(tag) =	ssettag $0x1  }
0x1: {  	s1 =	srdreg.scid  }
0x2: {  	s0 =	stileid.u32;
	s8 =	rddreg [dreg:$0x0];
	s5 =	simm.s32 $0x1  }
0x3: {  	s9 =	simm.s32 $0x1;
	s10 =	simm.s32 $0x3;
	s1 =	sshll.u32 s1, $0x5  }
0x4: {  	s13 =	simm.s32 $0x0;
	s2 =	sshll.u32 s0, $0x6;
	s3 =	sand.u32 $0x20, s1  }
0x5: {  	s12 =	simm.s32 $0x0;
	s4 =	sadd.s32 $0x400, s8;
	s2 =	sor.u32 s2, s3  }
0x6: {  	s1 =	rddreg [dreg:$0x1];
	_ =	strace $0x8000004A;
	s7 =	ssub.s32 $0x800, s2  }
.Ltmp0:
0x7: {  	s3 =	sadd.s32 $0x600, s8;
	s6 =	sand.u32 $0x3E0, s7;
	(pc) =	sbr.rel .LBB2_1-.Ltmp0, $4  }
0x8: {  	[sflag:s5] =	ssyncpa.u1 $0x0;
	s8 =	sadd.s32 $0xE00, s8;
	p0 =	sne.s32 s6, $0x0  }
0x9: {  	s7 =	sshrl.u32 s7, $0xA;
	s6 =	simm.s32 $0x2;
	s9 =	simm.s32 @!p0 $0x0  }
0xa: {  	s11 =	smov.u32 s2;
	[sflag:s6] =	ssyncpa.u1 $0x0;
	s7 =	sadd.s32 s9, s7  }
0xb: {  	vm0 =	vmmov $0xffff;
	[sflag:s10] =	ssyncpa.u1 $0x0;
	s10 =	simm.s32 $0x0;
	s9 =	sadd.s32 $0x1, s7  }
.LBB2_5:
0xc: {  	s15 =	sadd.s32 $0x400, s11  }
0xd: {  	p1 =	sgt.s32 s15, $0x7FF  }
0xe: {  	s15 =	smov.u32 @p1 s2;
	p1 =	sne.s32 s12, s9  }
.Ltmp1:
0xf: {  	p0 =	slt.u32 s12, $0x2;
	(pc) =	sbr.rel @!p1 .LBB2_6-.Ltmp1, $4  }
0x10: {  	s14 =	simm.s32 @!p0 $0x3  }
0x11: {  	_ =	swait.ge @!p0 [sflag:s14], $0x20  }
0x12: {  	s16 =	sadd.s32 $0x1, s12;
	s13 =	smov.u32 s11;
	[sflag:s14] =	ssyncset.done @!p0 $0x0  }
0x13: {  	s12 =	smov.u32 s16;
	s11 =	smov.u32 s15;
	[sflag:s14] =	ssyncadd.s32 @!p0 $0xFFFFFFE0  }
.LBB2_1:
0x14: {  	p0 =	sge.u32 s12, s7  }
0x15: {  	s14 =	sxor.u32 @!p0 $0xFFFFFFFF, s12  }
0x16: {  	s31 =	sadd.s32 $0xFFFFFFFF, s12;
	s15 =	sshrl.u32 @!p0 s11, $0x3;
	s14 =	sshll.u32 @!p0 s14, $0x5  }
0x17: {  	s16 =	sand.u32 @!p0 $0x7, s11;
	s15 =	sadd.s32 @!p0 s4, s15;
	s14 =	sand.u32 @!p0 $0x20, s14  }
0x18: {  	[tilespmem:s14], [sflag:$0x2] =	stream.linear.gather @!p0 [hbm4b:s15+s16], $0x20, $0x38;
	[tilespmem:$0x80] =	vst v63  }
0x19: {  	p0 =	sge.u32 s31, s7  }
.Ltmp2:
0x1a: {  	_ = 	snop;
	(pc) =	sbr.rel @p0 .LBB2_5-.Ltmp2, $1  }
0x1b: {  	_ =	sdelay $0x3  }
0x1c: {  	_ =	swait.ge [sflag:s6], $0x20;
	s14 =	sshll.u32 s12, $0x5;
	s16 =	simm.s32 $0x0  }
0x1d: {  	p0 =	por $0x1, $0x1;
	[sflag:s6] =	ssyncset.done $0x0;
	s15 =	sand.u32 $0x20, s14  }
0x1e: {  	[sflag:s6] =	ssyncadd.s32 $0xFFFFFFE0;
	(ifvalue) =	ssetifvalue $0x7FFFFFFF;
	s14 =	sor.u32 $0x40, s15  }
.LBB2_3:
0x1f: {  	s17 =	sadd.s32 s16, s15  }
0x20: {  	v0 =	vld.msk [tilespmem:s17+$0x0 ss:$0x1], $0xffff;
	_ =	sdelay $0x4  }
0x21: {  	v1 =	vshrl.u32 v0, $0x7;
	v2 =	vshll.u32 v0, $0x7  }
0x22: {  	vm1 =	veq.s32 v0, $0x80000000;
	v61 =	vand.u32 $0xF, v1;
	v62 =	vand.u32 $0x3F80, v2  }
0x23: {  	v0 =	vsel vm1, $0xFFFFFFFF, v61;
	v1 =	vsel vm1, $0xFFFFFF80, v62  }
0x24: {  	v63 =	vand.u32 $0xFFFFFC00, v1;
	v3 =	vand.u32 $0xFFFFFC00, v0  }
0x25: {  	v1 =	vand.u32 $0x380, v1;
	v2 =	vadd.s32 v3, v63  }
0x26: {  	v0 =	vand.u32 $0x7F, v0;
	v1 =	vor.u32 v1, v2  }
0x27: {  	p1 =	por p0, p0;
	v0 =	vor.u32 v0, v1  }
.Ltmp3:
0x28: {  	_ = 	snop;
	(pc) =	sbr.rel @p1 .LBB2_3-.Ltmp3, $4  }
0x29: {  	_ = 	snop  }
0x2a: {  	s31 =	sadd.s32 s16, s14  }
0x2b: {  	s16 =	simm.s32 $0x10;
	p0 =	por $0x0, $0x0;
	(ifvalue) =	ssetifvalue $0x7FFFFFFF  }
0x2c: {  	[tilespmem:s31], [sflag:$0x1] =	stream.indirect_vreg.gather [hbm4b:s3+s10], $0x1, v0, vm0, $0x4038;
	[tilespmem:$0x80] =	vst v63  }
.Ltmp4:
0x2d: {  	(pc) =	sbr.rel .LBB2_5-.Ltmp4, $4  }
0x2e: {  	_ =	swait.ge [sflag:s5], $0x20  }
0x2f: {  	s15 =	sshrl.u32 s13, $0x3;
	[sflag:s5] =	ssyncset.done $0x0  }
0x30: {  	s31 =	sand.u32 $0x7, s13;
	s15 =	sadd.s32 s8, s15;
	[sflag:s5] =	ssyncadd.s32 $0xFFFFFFE0  }
0x31: {  	[hbm4b:s15+s31] =	stream.linear.scatter [tilespmem:s14], [sflag:$0x3], $0x20, $0x38;
	[tilespmem:$0x80] =	vst v63  }
.LBB2_6:
0x32: {  	_ =	sfence.sel $0x180000  }
0x33: {  	s2 =	simm.s32 $0x2;
	[bflag:$0x0] =	sbarrier.arrive $0xFFFF  }
0x34: {  	s30 =	simm.s32 $0x3;
	[sflag:s2] =	ssyncpa.u1 $0x1  }
0x35: {  	s31 =	simm.s32 $0x1;
	[sflag:s30] =	ssyncpa.u1 $0x1  }
0x36: {  	[sflag:s31] =	ssyncpa.u1 $0x1  }
0x37: {  	p0 =	sne.s32 s0, $0x0;
	_ =	strace $0x9000004A  }
0x38: {  	s0 =	sadd.s32 @!p0 $0x100000, s1;
	[bflag:$0x2] =	sbarrier.arrive $0xFFFF  }
0x39: {  	[sflag:s0] =	ssyncadd.tile.s32 @!p0 $0x1;
	_ =	shalt  }
.Lfunc_end2:
_tile_overlayer_lowered:
.L_overlay_start_2:
0x3a: {  	(tag) =	ssettag $0x2  }
0x3b: {  	s0 =	rddreg [dreg:$0x0];
	s2 =	stileid.u32  }
0x3c: {  	s1 =	rddreg [dreg:$0x1];
	p0 =	sne.s32 s2, $0x0  }
0x3d: {  	s3 =	rddreg [dreg:$0x2];
	[bflag:$0x3] =	sbarrier.arrive $0xFFFF;
	s2 =	simm.s32 @!p0 $0x1C01  }
0x3e: {  	[timem:s3], [sflag:s2] =	dma.local @!p0 [hbm:s0], s1  }
0x3f: {  	s0 =	simm.s32 @!p0 $0x1  }
0x40: {  	_ =	swait.ge @!p0 [sflag:s0], s1  }
0x41: {  	s1 =	ssub.s32 @!p0 $0x0, s1;
	[sflag:s0] =	ssyncset.done @!p0 $0x0  }
0x42: {  	[sflag:s0] =	ssyncadd.s32 @!p0 s1  }
0x43: {  	[bflag:$0x3] =	sbarrier.arrive $0xFFFF  }
0x44: {  	_ =	shalt  }

// kernel: gather_offload_async_start.3
scs
__scs_entry_jumppad:
0x0: {  	(pc) =	sbr.rel $0x88, $3  }
0x1: {  	(tag) =	ssettag $0x0;
	lr =	simm.s32 $0x1  }
0x2: {  	[smem:$0x3F9C] =	sst lr;
	_ =	strace $0xD0000000  }
0x3: {  	_ = 	snop  }
0x4: {  	_ = 	snop  }
0x5: {  	_ = 	snop  }
0x6: {  	_ = 	snop  }
0x7: {  	_ = 	snop  }
__scs_overlays_trampoline_lowered:
0x8: {  	[smem:$0x3FAB] =	sst s0  }
0x9: {  	[smem:$0x3FAC] =	sst s1  }
0xa: {  	[smem:$0x3FAD] =	sst s2  }
0xb: {  	[smem:$0x3FAE] =	sst s3  }
0xc: {  	[smem:$0x3FAF] =	sst s4  }
0xd: {  	[smem:$0x3FB0] =	sst s5  }
0xe: {  	[smem:$0x3FB1] =	sst s6  }
0xf: {  	[smem:$0x3FB2] =	sst s7  }
0x10: {  	[smem:$0x3FB3] =	sst s8  }
0x11: {  	[smem:$0x3FB4] =	sst s9;
	s0 =	simm.s32 @!p0 $0x0  }
0x12: {  	s1 =	sld [smem:$0x3F9A];
	s0 =	simm.s32 @p0 $0x1  }
0x13: {  	[smem:$0x3FB5] =	sst s0;
	s0 =	simm.s32 @!p1 $0x0  }
0x14: {  	s2 =	sld [smem:$0x3F99];
	s0 =	simm.s32 @p1 $0x1  }
0x15: {  	[smem:$0x3FB6] =	sst s0;
	s0 =	simm.s32 @!p2 $0x0  }
0x16: {  	s3 =	sld [smem:$0x3FDB];
	s0 =	simm.s32 @p2 $0x1  }
0x17: {  	s4 =	simm.s32 $0x1BF5;
	[smem:$0x3FB8] =	sst s0  }
0x18: {  	s0 =	sld [smem:$0x3F9B];
	_ =	swait.ge [sflag:s4], $0x0  }
0x19: {  	s7 =	sld [smem:$0x3F9C]  }
0x1a: {  	s8 =	sadd.s32 $0xFFFFE003, lr  }
0x1b: {  	s9 =	sadd.s32 $0xFFFFFEF7, lr;
	s5 =	simm.s32 $0xFFFFFFFF;
	p2 =	slt.u32 s8, $0xFFFFF086  }
0x1c: {  	p1 =	slt.u32 s9, $0xF7A;
	s5 =	simm.s32 @!p2 $0x0  }
0x1d: {  	s5 =	simm.s32 @p1 $0x1;
	p0 =	seq.s32 s7, s2  }
0x1e: {  	s7 =	smul.u32 @!p0 $0xF7A, s2;
	p2 =	seq.s32 @!p0 s5, $0x0  }
0x1f: {  	s9 =	smul.u32 $0xF7A, s1;
	s8 =	simm.s32 @!p0 $0x1BF5;
	p2 =	por !p2, p0  }
0x20: {  	[sflag:s8] =	ssyncset.s32 @!p0 $0xFFFFF086;
	s6 =	sadd.s32 @!p0 s3, s7;
	s7 =	simm.s32 @!p0 $0x108  }
0x21: {  	s3 =	sadd.s32 s3, s9;
	s6 =	sadd.s32 @!p0 $0x88, s6;
	s7 =	simm.s32 @p2 $0x1082  }
0x22: {  	[simem:s7], [sflag:s8] =	dma.local @!p0 [hbm:s6], $0xF7A  }
0x23: {  	s9 =	sor.u32 $0xD0000000, s2;
	s6 =	simm.s32 $0x108;
	_ =	swait.ge @!p0 [sflag:s8], $0x0  }
0x24: {  	s3 =	sadd.s32 $0x88, s3;
	s6 =	simm.s32 @!p1 $0x1082;
	[sflag:s4] =	ssyncset.s32 $0xFFFFF086  }
0x25: {  	[simem:s6], [sflag:s4] =	dma.local [hbm:s3], $0xF7A  }
0x26: {  	[smem:$0x3F9C] =	sst s1;
	(tag) =	ssettag s2;
	_ =	strace s9  }
0x27: {  	s1 =	sld [smem:$0x3FAC]  }
0x28: {  	s2 =	sld [smem:$0x3FAD]  }
0x29: {  	s4 =	sld [smem:$0x3FAF]  }
0x2a: {  	p0 =	seq.s32 s5, $0x0;
	s5 =	sld [smem:$0x3FB0]  }
0x2b: {  	s6 =	sld [smem:$0x3FB1]  }
0x2c: {  	s7 =	sld [smem:$0x3FB2]  }
0x2d: {  	s3 =	simm.s32 $0x108;
	s8 =	sld [smem:$0x3FB3]  }
0x2e: {  	s3 =	simm.s32 @!p0 $0x1082;
	s9 =	sld [smem:$0x3FB4]  }
0x2f: {  	lr =	sadd.s32 s0, s3;
	s0 =	sld [smem:$0x3FAB]  }
0x30: {  	s3 =	sld [smem:$0x3FAE]  }
0x31: {  	[smem:$0x3FB7] =	sst s10  }
0x32: {  	s10 =	sld [smem:$0x3FB5];
	_ =	sdelay $0x3  }
0x33: {  	p0 =	seq.s32 s10, $0x1;
	s10 =	sld [smem:$0x3FB7];
	_ =	sdelay $0x3  }
0x34: {  	[smem:$0x3FB7] =	sst s10  }
0x35: {  	s10 =	sld [smem:$0x3FB6];
	_ =	sdelay $0x3  }
0x36: {  	p1 =	seq.s32 s10, $0x1;
	s10 =	sld [smem:$0x3FB7];
	_ =	sdelay $0x3  }
0x37: {  	[smem:$0x3FB7] =	sst s10  }
0x38: {  	s10 =	sld [smem:$0x3FB8]  }
0x39: {  	_ = 	snop;
	(pc) =	sbr.ind lr, $3  }
0x3a: {  	_ = 	snop  }
0x3b: {  	_ = 	snop  }
0x3c: {  	p2 =	seq.s32 s10, $0x1;
	s10 =	sld [smem:$0x3FB7]  }
0x3d: {  	_ =	shalt  }
0x3e: {  	_ =	shalt  }
0x3f: {  	_ =	shalt  }
0x40: {  	_ =	shalt  }
0x41: {  	_ =	shalt  }
0x42: {  	_ =	shalt  }
0x43: {  	_ =	shalt  }
0x44: {  	_ =	shalt  }
0x45: {  	_ =	shalt  }
0x46: {  	_ =	shalt  }
0x47: {  	_ =	shalt  }
0x48: {  	_ =	shalt  }
0x49: {  	_ =	shalt  }
0x4a: {  	_ =	shalt  }
0x4b: {  	_ =	shalt  }
0x4c: {  	_ =	shalt  }
0x4d: {  	_ =	shalt  }
0x4e: {  	_ =	shalt  }
0x4f: {  	_ =	shalt  }
0x50: {  	_ =	shalt  }
0x51: {  	_ =	shalt  }
0x52: {  	_ =	shalt  }
0x53: {  	_ =	shalt  }
0x54: {  	_ =	shalt  }
0x55: {  	_ =	shalt  }
0x56: {  	_ =	shalt  }
0x57: {  	_ =	shalt  }
0x58: {  	_ =	shalt  }
0x59: {  	_ =	shalt  }
0x5a: {  	_ =	shalt  }
0x5b: {  	_ =	shalt  }
0x5c: {  	_ =	shalt  }
0x5d: {  	_ =	shalt  }
0x5e: {  	_ =	shalt  }
0x5f: {  	_ =	shalt  }
0x60: {  	_ =	shalt  }
0x61: {  	_ =	shalt  }
0x62: {  	_ =	shalt  }
0x63: {  	_ =	shalt  }
0x64: {  	_ =	shalt  }
0x65: {  	_ =	shalt  }
0x66: {  	_ =	shalt  }
0x67: {  	_ =	shalt  }
0x68: {  	_ =	shalt  }
0x69: {  	_ =	shalt  }
0x6a: {  	_ =	shalt  }
0x6b: {  	_ =	shalt  }
0x6c: {  	_ =	shalt  }
0x6d: {  	_ =	shalt  }
0x6e: {  	_ =	shalt  }
0x6f: {  	_ =	shalt  }
0x70: {  	_ =	shalt  }
0x71: {  	_ =	shalt  }
0x72: {  	_ =	shalt  }
0x73: {  	_ =	shalt  }
0x74: {  	_ =	shalt  }
0x75: {  	_ =	shalt  }
0x76: {  	_ =	shalt  }
0x77: {  	_ =	shalt  }
0x78: {  	_ =	shalt  }
0x79: {  	_ =	shalt  }
0x7a: {  	_ =	shalt  }
0x7b: {  	_ =	shalt  }
0x7c: {  	_ =	shalt  }
0x7d: {  	_ =	shalt  }
0x7e: {  	_ =	shalt  }
0x7f: {  	_ =	shalt  }
0x80: {  	_ =	shalt  }
0x81: {  	_ =	shalt  }
0x82: {  	_ =	shalt  }
0x83: {  	_ =	shalt  }
0x84: {  	_ =	shalt  }
0x85: {  	_ =	shalt  }
0x86: {  	_ =	shalt  }
0x87: {  	_ =	shalt  }
.Lfunc_end0:
.L_simem_size_0:
called_computation.3_lowered:
.L_overlay_start_0:
0x88: {  	s2 =	sld [smem:$0x3FD9]  }
0x89: {  	s3 =	sld [smem:$0x3FFE];
	_ =	sdelay $0x1  }
0x8a: {  	s1 =	srdreg.scid  }
0x8b: {  	s0 =	sand.u32 $0x1, s1  }
0x8c: {  	s14 =	sshll.u32 s0, $0xA;
	s2 =	sadd.s32 s3, s2  }
0x8d: {  	s2 =	sadd.s32 s2, s14  }
0x8e: {  	[smem:$0x3FC3] =	sst s2  }
0x8f: {  	_ = 	snop  }
0x90: {  	s2 =	sld [smem:$0x3FD0];
	_ =	sdelay $0x2  }
0x91: {  	s15 =	simm.s32 $0xA;
	s4 =	simm.s32 $0x10  }
0x92: {  	[smem:s4], [sflag:s15] =	dma.local [hbm:s2], $0x1  }
0x93: {  	_ =	swait.eq [sflag:s15], $0x1  }
0x94: {  	[sflag:s15] =	ssyncset.done $0x0  }
0x95: {  	[sflag:s15] =	ssyncadd.s32 $0xFFFFFFFF  }
0x96: {  	s16 =	sld [smem:$0x10];
	(tm) =	ssettm $0x1  }
0x97: {  	s17 =	sld [smem:$0x3FFB];
	_ =	sdelay $0x3  }
0x98: {  	_ =	strace s17  }
0x99: {  	s3 =	sld [smem:$0x3FFC];
	_ =	sdelay $0x3  }
0x9a: {  	_ =	strace s3  }
0x9b: {  	s3 =	sld [smem:$0x3FFD];
	_ =	sdelay $0x3  }
0x9c: {  	_ =	strace s3  }
0x9d: {  	_ =	strace $0x8FFFFFFF  }
0x9e: {  	s18 =	sld [smem:$0x3FDB];
	_ =	sdelay $0x1  }
0x9f: {  	s19 =	simm.s32 $_scs_section_size  }
0xa0: {  	s5 =	simm.s32 $_size__tile_overlayer_lowered;
	s6 =	simm.s32 $_tile_overlayer_lowered  }
0xa1: {  	s22 =	simm.s32 $0x1BFF;
	s21 =	sshll.u32 s6, $0x1;
	s3 =	sadd.s32 s19, s18  }
0xa2: {  	s7 =	simm.s32 $0x0;
	s20 =	sshll.u32 s5, $0x1;
	s5 =	sadd.s32 s21, s3  }
0xa3: {  	[timem:s7], [sflag:s22] =	dma.local [hbm:s5], s20  }
0xa4: {  	_ =	swait.ge [sflag:s22], s20  }
0xa5: {  	s4 =	ssub.s32 $0x0, s20;
	[sflag:s22] =	ssyncset.done $0x0  }
0xa6: {  	[sflag:s22] =	ssyncadd.s32 s4;
	_ =	sdelay $0x1  }
0xa7: {  	s23 =	simm.s32 $0x1B8B  }
0xa8: {  	_ =	swait.ge [sflag:s23], $0x1  }
0xa9: {  	[sflag:s23] =	ssyncset.done $0x0  }
0xaa: {  	s25 =	simm.s32 $0x1B8E;
	s24 =	sld [smem:$0x3FFE];
	[sflag:s23] =	ssyncadd.s32 $0xFFFFFFFF  }
0xab: {  	s26 =	simm.s32 $execute0_lowered;
	[smem:$0x3FD2] =	sst s25  }
0xac: {  	s5 =	sshll.u32 s26, $0x1;
	_ =	strace $0x8000004F;
	[dreg:$0x1] =	wrdreg $0xFFFFFFFF  }
0xad: {  	s28 =	simm.s32 $_size_execute0_lowered;
	s3 =	sadd.s32 s3, s5;
	[dreg:$0x0] =	wrdreg $0x0  }
0xae: {  	s5 =	sshll.u32 s28, $0x1;
	[dreg:$0x2] =	wrdreg s3  }
0xaf: {  	[dreg:$0x3] =	wrdreg s5  }
0xb0: {  	[dreg:$0x4] =	wrdreg $0xC0  }
0xb1: {  	_ =	task [dreg:s7], $0x5FFFF  }
0xb2: {  	[dreg:$0x1] =	wrdreg $0xFFFFFFFF  }
0xb3: {  	[dreg:$0x0] =	wrdreg $0x60  }
0xb4: {  	[dreg:$0x2] =	wrdreg s16  }
0xb5: {  	[dreg:$0x3] =	wrdreg s24  }
0xb6: {  	[dreg:$0x4] =	wrdreg $0x9  }
0xb7: {  	_ =	task.clear_ibuf [dreg:s7], $0x5FFFF;
	_ =	strace $0x9000004F  }
0xb8: {  	s29 =	simm.s32 $0x9;
	_ =	strace $0x80000051  }
0xb9: {  	_ =	swait.ge [sflag:s29], $0x1  }
0xba: {  	[sflag:s29] =	ssyncadd.s32 $0xFFFFFFFF  }
0xbb: {  	_ =	strace $0x90000051  }
0xbc: {  	_ =	sfence  }
0xbd: {  	s30 =	sld [smem:$0x0];
	_ =	sdelay $0x2  }
0xbe: {  	s31 =	sshll.u32 s1, $0xD;
	s1 =	sshrl.u32 s1, $0x2  }
0xbf: {  	s3 =	sand.u32 $0x4000, s31;
	s1 =	sadd.s32 s1, s30  }
0xc0: {  	s0 =	sor.u32 s3, s0;
	s1 =	sshll.u32 s1, $0x11  }
0xc1: {  	s0 =	sor.u32 s1, s0  }
0xc2: {  	s0 =	sadd.s32 $0x8F2B, s0  }
0xc3: {  	[sflag:s0] =	ssyncadd.remote.s32 $0x1  }
0xc4: {  	_ =	sfence.sel $0xFFFF  }
0xc5: {  	[dreg:$0x0] =	wrdreg $0xFFFFFFFF;
	(pc) =	sbr.abs _section_cstart, $3  }
0xc6: {  	[dreg:$0x1] =	wrdreg $0xFFFFFFFF  }
0xc7: {  	_ =	task.clear_ibuf [dreg:s7], $0x2FFFF;
	_ =	strace $0x9FFFFFFF  }
0xc8: {  	(tm) =	ssettm $0x7FFFFFFF  }
0xc9: {  	_ =	shalt  }
tec
execute0_lowered:
.L_overlay_start_1:
0x0: {  	(tag) =	ssettag $0x1  }
0x1: {  	s2 =	rddreg [dreg:$0x0]  }
0x2: {  	s7 =	rddreg [dreg:$0x1]  }
0x3: {  	s0 =	rddreg [dreg:$0x2]  }
0x4: {  	s1 =	srdreg.scid;
	_ =	strace $0x80000050;
	s4 =	simm.s32 $0x1  }
0x5: {  	s9 =	simm.s32 $0x3;
	s12 =	simm.s32 $0x0;
	s5 =	sshll.u32 s1, $0x4  }
.Ltmp0:
0x6: {  	s1 =	stileid.u32;
	s5 =	sand.u32 $0x10, s5;
	(pc) =	sbr.rel .LBB2_1-.Ltmp0, $4  }
0x7: {  	s10 =	simm.s32 $0x0;
	s3 =	sadd.s32 $0x400, s7;
	s6 =	sor.u32 s1, s5  }
0x8: {  	[sflag:s4] =	ssyncpa.u1 $0x0;
	s5 =	simm.s32 $0x2;
	s6 =	sshll.u32 s6, $0x6  }
0x9: {  	s7 =	sadd.s32 $0x600, s7;
	[sflag:s5] =	ssyncpa.u1 $0x0;
	s8 =	sadd.s32 $0x40, s6  }
0xa: {  	vm0 =	vmmov $0xff;
	vm1 =	vcmask $0x3F20;
	[sflag:s9] =	ssyncpa.u1 $0x0;
	s9 =	simm.s32 $0x40;
	s11 =	smov.u32 s6  }
.LBB2_9:
0xb: {  	p0 =	seq.s32 s10, $0x2  }
.Ltmp1:
0xc: {  	_ = 	snop;
	(pc) =	sbr.rel @p0 .LBB2_11-.Ltmp1, $1  }
0xd: {  	_ =	sdelay $0x3  }
.LBB2_10:
0xe: {  	s12 =	sadd.s32 $0x40, s11  }
0xf: {  	s13 =	smov.u32 s6;
	p0 =	slt.s32 s12, s8  }
0x10: {  	s13 =	smov.u32 @p0 s12  }
0x11: {  	s10 =	sadd.s32 $0x1, s10;
	s12 =	smov.u32 s11;
	s11 =	smov.u32 s13  }
.LBB2_1:
0x12: {  	p0 =	sne.s32 s10, $0x0  }
.Ltmp2:
0x13: {  	_ = 	snop;
	(pc) =	sbr.rel @!p0 .LBB2_2-.Ltmp2, $1  }
0x14: {  	_ =	sdelay $0x3  }
0x15: {  	s13 =	sand.u32 $0x1, s10  }
0x16: {  	p0 =	seq.s32 s13, $0x0  }
.Ltmp3:
0x17: {  	_ = 	snop;
	(pc) =	sbr.rel @p0 .LBB2_9-.Ltmp3, $1  }
0x18: {  	_ =	sdelay $0x3  }
0x19: {  	_ =	swait.ge [sflag:s5], $0x40  }
0x1a: {  	[sflag:s5] =	ssyncset.done $0x0  }
0x1b: {  	s13 =	simm.s32 $0x0;
	[sflag:s5] =	ssyncadd.s32 $0xFFFFFFC0  }
0x1c: {  	v0 =	vld.msk [tilespmem:s13+$0x40 ss:$0x1], $0xffff;
	_ =	sdelay $0x4  }
0x1d: {  	vm2 =	veq.s32 v0, $0x80000000;
	v1 =	vand.u32 $0x780, v0;
	v0 =	vshll.u32 v0, $0xB  }
0x1e: {  	v1 =	vsel vm2, $0xFFFFFF80, v1;
	v0 =	vand.u32 $0x3F800, v0  }
0x1f: {  	v0 =	vsel vm2, $0xFFFFF800, v0;
	v2 =	vand.u32 $0xFFFFFC00, v1  }
0x20: {  	v1 =	vand.u32 $0x380, v1;
	v0 =	vadd.s32 v2, v0  }
0x21: {  	v0 =	vor.u32 v1, v0  }
0x22: {  	v0 =	vshrl.u32 v0, $0x3;
	_ =	sdelay $0x3  }
0x23: {  	s13 =	simm.s32 $0x2080  }
0x24: {  	[tilespmem:s13], [sflag:$0x1] =	stream.indirect_vreg.gather [hbm:s2], $0x80, v0, vm0, $0x38;
	[tilespmem:$0x4080] =	vst v63  }
0x25: {  	s14 =	simm.s32 $0x2480;
	s31 =	simm.s32 $0x10  }
0x26: {  	[tilespmem:s14], [sflag:$0x1] =	stream.indirect_vreg.gather [hbm:s2], $0x80, v0, vm1, $0x38;
	[tilespmem:$0x4080] =	vst v63  }
0x27: {  	s14 =	simm.s32 $0x80;
	v0 =	vld.msk [tilespmem:s31+$0x40 ss:$0x1], $0xffff  }
.LBB2_5:
0x28: {  	p0 =	sne.s32 s14, $0xC0;
	_ =	sdelay $0x4  }
0x29: {  	vm2 =	veq.s32 v0, $0x80000000;
	v1 =	vand.u32 $0x780, v0;
	v0 =	vshll.u32 v0, $0xB  }
0x2a: {  	v1 =	vsel vm2, $0xFFFFFF80, v1;
	v0 =	vand.u32 $0x3F800, v0  }
0x2b: {  	v0 =	vsel vm2, $0xFFFFF800, v0;
	v2 =	vand.u32 $0xFFFFFC00, v1  }
0x2c: {  	v1 =	vand.u32 $0x380, v1;
	v0 =	vadd.s32 v2, v0  }
0x2d: {  	v0 =	vor.u32 v1, v0  }
0x2e: {  	v0 =	vshrl.u32 v0, $0x3;
	_ =	sdelay $0x3  }
.Ltmp4:
0x2f: {  	s13 =	sadd.s32 $0x800, s13;
	(pc) =	sbr.rel @p0 .LBB2_5-.Ltmp4, $4  }
0x30: {  	[tilespmem:s13], [sflag:$0x1] =	stream.indirect_vreg.gather [hbm:s2], $0x80, v0, vm0, $0x38;
	[tilespmem:$0x4080] =	vst v63  }
0x31: {  	s15 =	sshra.s32 s14, $0x2;
	s16 =	sadd.s32 $0x400, s13  }
0x32: {  	[tilespmem:s16], [sflag:$0x1] =	stream.indirect_vreg.gather [hbm:s2], $0x80, v0, vm1, $0x38;
	[tilespmem:$0x4080] =	vst v63  }
0x33: {  	s14 =	sadd.s32 $0x40, s14;
	v0 =	vld.msk [tilespmem:s15+$0x40 ss:$0x1], $0xffff  }
0x34: {  	_ =	sdelay $0x3  }
0x35: {  	vm2 =	veq.s32 v0, $0x80000000;
	v1 =	vand.u32 $0x780, v0;
	v63 =	vshll.u32 v0, $0xB  }
0x36: {  	v1 =	vsel vm2, $0xFFFFFF80, v1;
	v0 =	vand.u32 $0x3F800, v63  }
0x37: {  	v0 =	vsel vm2, $0xFFFFF800, v0;
	v2 =	vand.u32 $0xFFFFFC00, v1  }
0x38: {  	v1 =	vand.u32 $0x380, v1;
	v0 =	vadd.s32 v2, v0  }
0x39: {  	v0 =	vor.u32 v1, v0  }
0x3a: {  	v0 =	vshrl.u32 v0, $0x3;
	_ =	sdelay $0x3  }
0x3b: {  	s13 =	sadd.s32 $0x800, s13  }
0x3c: {  	[tilespmem:s13], [sflag:$0x1] =	stream.indirect_vreg.gather [hbm:s2], $0x80, v0, vm0, $0x38;
	[tilespmem:$0x4080] =	vst v63  }
0x3d: {  	s13 =	sadd.s32 $0x400, s13  }
0x3e: {  	[tilespmem:s13], [sflag:$0x1] =	stream.indirect_vreg.gather [hbm:s2], $0x80, v0, vm1, $0x38;
	[tilespmem:$0x4080] =	vst v63  }
0x3f: {  	s12 =	sshll.u32 s12, $0x4;
	s14 =	simm.s32 $0x80;
	_ =	swait.ge [sflag:s4], $0x2000  }
0x40: {  	s15 =	simm.s32 $0x2480;
	s12 =	sadd.s32 s12, s7;
	[sflag:s4] =	ssyncset.done $0x0  }
0x41: {  	s16 =	sadd.s32 $0x0, s12;
	s13 =	simm.s32 $0x2080;
	[sflag:s4] =	ssyncadd.s32 $0xFFFFE000  }
.LBB2_7:
0x42: {  	[hbm:s16] =	stream.linear.scatter [tilespmem:s13], [sflag:$0x3], $0x400, $0x38;
	[tilespmem:$0x4080] =	vst v63  }
0x43: {  	s16 =	smov.u32 s14;
	s13 =	smov.u32 s15;
	p0 =	sne.s32 s14, $0x380  }
.Ltmp5:
0x44: {  	s14 =	sadd.s32 $0x80, s14;
	(pc) =	sbr.rel @p0 .LBB2_7-.Ltmp5, $2  }
0x45: {  	_ =	sdelay $0x2  }
0x46: {  	s15 =	sadd.s32 $0x400, s15;
	s16 =	sadd.s32 s16, s12  }
.Ltmp6:
0x47: {  	(pc) =	sbr.rel .LBB2_9-.Ltmp6, $2  }
0x48: {  	_ =	sdelay $0x2  }
0x49: {  	[hbm:s16] =	stream.linear.scatter [tilespmem:s13], [sflag:$0x3], $0x400, $0x38;
	[tilespmem:$0x4080] =	vst v63  }
.LBB2_2:
.Ltmp7:
0x4a: {  	(pc) =	sbr.rel .LBB2_10-.Ltmp7, $4  }
0x4b: {  	_ = 	snop  }
0x4c: {  	s12 =	sshrl.u32 s11, $0x3  }
0x4d: {  	s13 =	sand.u32 $0x7, s11;
	s12 =	sadd.s32 s3, s12  }
0x4e: {  	[tilespmem:s9], [sflag:$0x2] =	stream.linear.gather [hbm4b:s12+s13], $0x40, $0x38;
	[tilespmem:$0x4080] =	vst v63  }
.LBB2_11:
0x4f: {  	s2 =	simm.s32 $0x3  }
0x50: {  	_ =	swait.ge [sflag:s2], $0x2000  }
0x51: {  	[sflag:s2] =	ssyncset.done $0x0  }
0x52: {  	[sflag:s2] =	ssyncadd.s32 $0xFFFFE000  }
0x53: {  	_ =	sfence.sel $0x180000  }
0x54: {  	s3 =	simm.s32 $0x2;
	[bflag:$0x0] =	sbarrier.arrive $0xFFFF  }
0x55: {  	[sflag:s3] =	ssyncpa.u1 $0x1  }
0x56: {  	s31 =	simm.s32 $0x1;
	[sflag:s2] =	ssyncpa.u1 $0x1  }
0x57: {  	[sflag:s31] =	ssyncpa.u1 $0x1  }
0x58: {  	p0 =	sne.s32 s1, $0x0;
	_ =	strace $0x90000050  }
0x59: {  	s0 =	sadd.s32 @!p0 $0x100000, s0;
	[bflag:$0x2] =	sbarrier.arrive $0xFFFF  }
0x5a: {  	[sflag:s0] =	ssyncadd.tile.s32 @!p0 $0x1;
	_ =	shalt  }
.Lfunc_end2:
_tile_overlayer_lowered:
.L_overlay_start_2:
0x5b: {  	(tag) =	ssettag $0x2  }
0x5c: {  	s0 =	rddreg [dreg:$0x0];
	s2 =	stileid.u32  }
0x5d: {  	s1 =	rddreg [dreg:$0x1];
	p0 =	sne.s32 s2, $0x0  }
0x5e: {  	s3 =	rddreg [dreg:$0x2];
	[bflag:$0x3] =	sbarrier.arrive $0xFFFF;
	s2 =	simm.s32 @!p0 $0x1C01  }
0x5f: {  	[timem:s3], [sflag:s2] =	dma.local @!p0 [hbm:s0], s1  }
0x60: {  	s0 =	simm.s32 @!p0 $0x1  }
0x61: {  	_ =	swait.ge @!p0 [sflag:s0], s1  }
0x62: {  	s1 =	ssub.s32 @!p0 $0x0, s1;
	[sflag:s0] =	ssyncset.done @!p0 $0x0  }
0x63: {  	[sflag:s0] =	ssyncadd.s32 @!p0 s1  }
0x64: {  	[bflag:$0x3] =	sbarrier.arrive $0xFFFF  }
0x65: {  	_ =	shalt  }

// kernel: gather_offload_async_start
scs
__scs_entry_jumppad:
0x0: {  	(pc) =	sbr.rel $0x88, $3  }
0x1: {  	(tag) =	ssettag $0x0;
	lr =	simm.s32 $0x1  }
0x2: {  	[smem:$0x3F9C] =	sst lr;
	_ =	strace $0xD0000000  }
0x3: {  	_ = 	snop  }
0x4: {  	_ = 	snop  }
0x5: {  	_ = 	snop  }
0x6: {  	_ = 	snop  }
0x7: {  	_ = 	snop  }
__scs_overlays_trampoline_lowered:
0x8: {  	[smem:$0x3FAB] =	sst s0  }
0x9: {  	[smem:$0x3FAC] =	sst s1  }
0xa: {  	[smem:$0x3FAD] =	sst s2  }
0xb: {  	[smem:$0x3FAE] =	sst s3  }
0xc: {  	[smem:$0x3FAF] =	sst s4  }
0xd: {  	[smem:$0x3FB0] =	sst s5  }
0xe: {  	[smem:$0x3FB1] =	sst s6  }
0xf: {  	[smem:$0x3FB2] =	sst s7  }
0x10: {  	[smem:$0x3FB3] =	sst s8  }
0x11: {  	[smem:$0x3FB4] =	sst s9;
	s0 =	simm.s32 @!p0 $0x0  }
0x12: {  	s1 =	sld [smem:$0x3F9A];
	s0 =	simm.s32 @p0 $0x1  }
0x13: {  	[smem:$0x3FB5] =	sst s0;
	s0 =	simm.s32 @!p1 $0x0  }
0x14: {  	s2 =	sld [smem:$0x3F99];
	s0 =	simm.s32 @p1 $0x1  }
0x15: {  	[smem:$0x3FB6] =	sst s0;
	s0 =	simm.s32 @!p2 $0x0  }
0x16: {  	s3 =	sld [smem:$0x3FDB];
	s0 =	simm.s32 @p2 $0x1  }
0x17: {  	s4 =	simm.s32 $0x1BF5;
	[smem:$0x3FB8] =	sst s0  }
0x18: {  	s0 =	sld [smem:$0x3F9B];
	_ =	swait.ge [sflag:s4], $0x0  }
0x19: {  	s7 =	sld [smem:$0x3F9C]  }
0x1a: {  	s8 =	sadd.s32 $0xFFFFE003, lr  }
0x1b: {  	s9 =	sadd.s32 $0xFFFFFEF7, lr;
	s5 =	simm.s32 $0xFFFFFFFF;
	p2 =	slt.u32 s8, $0xFFFFF086  }
0x1c: {  	p1 =	slt.u32 s9, $0xF7A;
	s5 =	simm.s32 @!p2 $0x0  }
0x1d: {  	s5 =	simm.s32 @p1 $0x1;
	p0 =	seq.s32 s7, s2  }
0x1e: {  	s7 =	smul.u32 @!p0 $0xF7A, s2;
	p2 =	seq.s32 @!p0 s5, $0x0  }
0x1f: {  	s9 =	smul.u32 $0xF7A, s1;
	s8 =	simm.s32 @!p0 $0x1BF5;
	p2 =	por !p2, p0  }
0x20: {  	[sflag:s8] =	ssyncset.s32 @!p0 $0xFFFFF086;
	s6 =	sadd.s32 @!p0 s3, s7;
	s7 =	simm.s32 @!p0 $0x108  }
0x21: {  	s3 =	sadd.s32 s3, s9;
	s6 =	sadd.s32 @!p0 $0x88, s6;
	s7 =	simm.s32 @p2 $0x1082  }
0x22: {  	[simem:s7], [sflag:s8] =	dma.local @!p0 [hbm:s6], $0xF7A  }
0x23: {  	s9 =	sor.u32 $0xD0000000, s2;
	s6 =	simm.s32 $0x108;
	_ =	swait.ge @!p0 [sflag:s8], $0x0  }
0x24: {  	s3 =	sadd.s32 $0x88, s3;
	s6 =	simm.s32 @!p1 $0x1082;
	[sflag:s4] =	ssyncset.s32 $0xFFFFF086  }
0x25: {  	[simem:s6], [sflag:s4] =	dma.local [hbm:s3], $0xF7A  }
0x26: {  	[smem:$0x3F9C] =	sst s1;
	(tag) =	ssettag s2;
	_ =	strace s9  }
0x27: {  	s1 =	sld [smem:$0x3FAC]  }
0x28: {  	s2 =	sld [smem:$0x3FAD]  }
0x29: {  	s4 =	sld [smem:$0x3FAF]  }
0x2a: {  	p0 =	seq.s32 s5, $0x0;
	s5 =	sld [smem:$0x3FB0]  }
0x2b: {  	s6 =	sld [smem:$0x3FB1]  }
0x2c: {  	s7 =	sld [smem:$0x3FB2]  }
0x2d: {  	s3 =	simm.s32 $0x108;
	s8 =	sld [smem:$0x3FB3]  }
0x2e: {  	s3 =	simm.s32 @!p0 $0x1082;
	s9 =	sld [smem:$0x3FB4]  }
0x2f: {  	lr =	sadd.s32 s0, s3;
	s0 =	sld [smem:$0x3FAB]  }
0x30: {  	s3 =	sld [smem:$0x3FAE]  }
0x31: {  	[smem:$0x3FB7] =	sst s10  }
0x32: {  	s10 =	sld [smem:$0x3FB5];
	_ =	sdelay $0x3  }
0x33: {  	p0 =	seq.s32 s10, $0x1;
	s10 =	sld [smem:$0x3FB7];
	_ =	sdelay $0x3  }
0x34: {  	[smem:$0x3FB7] =	sst s10  }
0x35: {  	s10 =	sld [smem:$0x3FB6];
	_ =	sdelay $0x3  }
0x36: {  	p1 =	seq.s32 s10, $0x1;
	s10 =	sld [smem:$0x3FB7];
	_ =	sdelay $0x3  }
0x37: {  	[smem:$0x3FB7] =	sst s10  }
0x38: {  	s10 =	sld [smem:$0x3FB8]  }
0x39: {  	_ = 	snop;
	(pc) =	sbr.ind lr, $3  }
0x3a: {  	_ = 	snop  }
0x3b: {  	_ = 	snop  }
0x3c: {  	p2 =	seq.s32 s10, $0x1;
	s10 =	sld [smem:$0x3FB7]  }
0x3d: {  	_ =	shalt  }
0x3e: {  	_ =	shalt  }
0x3f: {  	_ =	shalt  }
0x40: {  	_ =	shalt  }
0x41: {  	_ =	shalt  }
0x42: {  	_ =	shalt  }
0x43: {  	_ =	shalt  }
0x44: {  	_ =	shalt  }
0x45: {  	_ =	shalt  }
0x46: {  	_ =	shalt  }
0x47: {  	_ =	shalt  }
0x48: {  	_ =	shalt  }
0x49: {  	_ =	shalt  }
0x4a: {  	_ =	shalt  }
0x4b: {  	_ =	shalt  }
0x4c: {  	_ =	shalt  }
0x4d: {  	_ =	shalt  }
0x4e: {  	_ =	shalt  }
0x4f: {  	_ =	shalt  }
0x50: {  	_ =	shalt  }
0x51: {  	_ =	shalt  }
0x52: {  	_ =	shalt  }
0x53: {  	_ =	shalt  }
0x54: {  	_ =	shalt  }
0x55: {  	_ =	shalt  }
0x56: {  	_ =	shalt  }
0x57: {  	_ =	shalt  }
0x58: {  	_ =	shalt  }
0x59: {  	_ =	shalt  }
0x5a: {  	_ =	shalt  }
0x5b: {  	_ =	shalt  }
0x5c: {  	_ =	shalt  }
0x5d: {  	_ =	shalt  }
0x5e: {  	_ =	shalt  }
0x5f: {  	_ =	shalt  }
0x60: {  	_ =	shalt  }
0x61: {  	_ =	shalt  }
0x62: {  	_ =	shalt  }
0x63: {  	_ =	shalt  }
0x64: {  	_ =	shalt  }
0x65: {  	_ =	shalt  }
0x66: {  	_ =	shalt  }
0x67: {  	_ =	shalt  }
0x68: {  	_ =	shalt  }
0x69: {  	_ =	shalt  }
0x6a: {  	_ =	shalt  }
0x6b: {  	_ =	shalt  }
0x6c: {  	_ =	shalt  }
0x6d: {  	_ =	shalt  }
0x6e: {  	_ =	shalt  }
0x6f: {  	_ =	shalt  }
0x70: {  	_ =	shalt  }
0x71: {  	_ =	shalt  }
0x72: {  	_ =	shalt  }
0x73: {  	_ =	shalt  }
0x74: {  	_ =	shalt  }
0x75: {  	_ =	shalt  }
0x76: {  	_ =	shalt  }
0x77: {  	_ =	shalt  }
0x78: {  	_ =	shalt  }
0x79: {  	_ =	shalt  }
0x7a: {  	_ =	shalt  }
0x7b: {  	_ =	shalt  }
0x7c: {  	_ =	shalt  }
0x7d: {  	_ =	shalt  }
0x7e: {  	_ =	shalt  }
0x7f: {  	_ =	shalt  }
0x80: {  	_ =	shalt  }
0x81: {  	_ =	shalt  }
0x82: {  	_ =	shalt  }
0x83: {  	_ =	shalt  }
0x84: {  	_ =	shalt  }
0x85: {  	_ =	shalt  }
0x86: {  	_ =	shalt  }
0x87: {  	_ =	shalt  }
.Lfunc_end0:
.L_simem_size_0:
called_computation_lowered:
.L_overlay_start_0:
0x88: {  	s2 =	sld [smem:$0x3FD9]  }
0x89: {  	s3 =	sld [smem:$0x3FFE];
	_ =	sdelay $0x1  }
0x8a: {  	s1 =	srdreg.scid  }
0x8b: {  	s0 =	sand.u32 $0x1, s1  }
0x8c: {  	s16 =	sshll.u32 s0, $0xA;
	s2 =	sadd.s32 s3, s2  }
0x8d: {  	s2 =	sadd.s32 s2, s16  }
0x8e: {  	[smem:$0x3FC3] =	sst s2  }
0x8f: {  	_ = 	snop  }
0x90: {  	(tm) =	ssettm $0x1  }
0x91: {  	s17 =	sld [smem:$0x3FFB];
	_ =	sdelay $0x3  }
0x92: {  	_ =	strace s17  }
0x93: {  	s2 =	sld [smem:$0x3FFC];
	_ =	sdelay $0x3  }
0x94: {  	_ =	strace s2  }
0x95: {  	s2 =	sld [smem:$0x3FFD];
	_ =	sdelay $0x3  }
0x96: {  	_ =	strace s2  }
0x97: {  	_ =	strace $0x8FFFFFFF  }
0x98: {  	s18 =	sld [smem:$0x3FDB];
	_ =	sdelay $0x1  }
0x99: {  	s19 =	simm.s32 $_scs_section_size  }
0x9a: {  	s4 =	simm.s32 $_size__tile_overlayer_lowered;
	s5 =	simm.s32 $_tile_overlayer_lowered  }
0x9b: {  	s22 =	simm.s32 $0x1BFF;
	s21 =	sshll.u32 s5, $0x1;
	s2 =	sadd.s32 s19, s18  }
0x9c: {  	s6 =	simm.s32 $0x0;
	s20 =	sshll.u32 s4, $0x1;
	s4 =	sadd.s32 s21, s2  }
0x9d: {  	[timem:s6], [sflag:s22] =	dma.local [hbm:s4], s20  }
0x9e: {  	_ =	swait.ge [sflag:s22], s20  }
0x9f: {  	s3 =	ssub.s32 $0x0, s20;
	[sflag:s22] =	ssyncset.done $0x0  }
0xa0: {  	[sflag:s22] =	ssyncadd.s32 s3;
	_ =	sdelay $0x1  }
0xa1: {  	s23 =	simm.s32 $0x1B8B  }
0xa2: {  	_ =	swait.ge [sflag:s23], $0x1  }
0xa3: {  	[sflag:s23] =	ssyncset.done $0x0  }
0xa4: {  	s25 =	simm.s32 $0x1B8E;
	s24 =	sld [smem:$0x3FFE];
	[sflag:s23] =	ssyncadd.s32 $0xFFFFFFFF  }
0xa5: {  	s26 =	simm.s32 $execute0_lowered;
	[smem:$0x3FD2] =	sst s25  }
0xa6: {  	s4 =	sshll.u32 s26, $0x1;
	_ =	strace $0x80000046;
	[dreg:$0x1] =	wrdreg $0xFFFFFFFF  }
0xa7: {  	s28 =	simm.s32 $_size_execute0_lowered;
	s2 =	sadd.s32 s2, s4;
	[dreg:$0x0] =	wrdreg $0x0  }
0xa8: {  	s4 =	sshll.u32 s28, $0x1;
	[dreg:$0x2] =	wrdreg s2  }
0xa9: {  	[dreg:$0x3] =	wrdreg s4  }
0xaa: {  	[dreg:$0x4] =	wrdreg $0xC0  }
0xab: {  	_ =	task [dreg:s6], $0x5FFFF  }
0xac: {  	[dreg:$0x1] =	wrdreg $0xFFFFFFFF  }
0xad: {  	[dreg:$0x0] =	wrdreg $0x60  }
0xae: {  	[dreg:$0x2] =	wrdreg s24  }
0xaf: {  	[dreg:$0x3] =	wrdreg $0x9  }
0xb0: {  	_ =	task.clear_ibuf [dreg:s6], $0x4FFFF;
	_ =	strace $0x90000046  }
0xb1: {  	s29 =	simm.s32 $0x9;
	_ =	strace $0x80000048  }
0xb2: {  	_ =	swait.ge [sflag:s29], $0x1  }
0xb3: {  	[sflag:s29] =	ssyncadd.s32 $0xFFFFFFFF  }
0xb4: {  	_ =	strace $0x90000048  }
0xb5: {  	_ =	sfence  }
0xb6: {  	s30 =	sld [smem:$0x0];
	_ =	sdelay $0x2  }
0xb7: {  	s31 =	sshll.u32 s1, $0xD;
	s1 =	sshrl.u32 s1, $0x2  }
0xb8: {  	s3 =	sand.u32 $0x4000, s31;
	s1 =	sadd.s32 s1, s30  }
0xb9: {  	s0 =	sor.u32 s3, s0;
	s1 =	sshll.u32 s1, $0x11  }
0xba: {  	s0 =	sor.u32 s1, s0  }
0xbb: {  	s0 =	sadd.s32 $0x8F2B, s0  }
0xbc: {  	[sflag:s0] =	ssyncadd.remote.s32 $0x1  }
0xbd: {  	_ =	sfence.sel $0xFFFF  }
0xbe: {  	[dreg:$0x0] =	wrdreg $0xFFFFFFFF;
	(pc) =	sbr.abs _section_cstart, $3  }
0xbf: {  	[dreg:$0x1] =	wrdreg $0xFFFFFFFF  }
0xc0: {  	_ =	task.clear_ibuf [dreg:s6], $0x2FFFF;
	_ =	strace $0x9FFFFFFF  }
0xc1: {  	(tm) =	ssettm $0x7FFFFFFF  }
tec
execute0_lowered:
.L_overlay_start_1:
0x0: {  	(tag) =	ssettag $0x1  }
0x1: {  	s1 =	srdreg.scid  }
0x2: {  	s0 =	stileid.u32;
	s8 =	rddreg [dreg:$0x0];
	s5 =	simm.s32 $0x1  }
0x3: {  	s9 =	simm.s32 $0x1;
	s10 =	simm.s32 $0x3;
	s1 =	sshll.u32 s1, $0x5  }
0x4: {  	s13 =	simm.s32 $0x0;
	s2 =	sshll.u32 s0, $0x6;
	s3 =	sand.u32 $0x20, s1  }
0x5: {  	s12 =	simm.s32 $0x0;
	s4 =	sadd.s32 $0x600, s8;
	s2 =	sor.u32 s2, s3  }
0x6: {  	s1 =	rddreg [dreg:$0x1];
	_ =	strace $0x80000047;
	s7 =	ssub.s32 $0x800, s2  }
.Ltmp0:
0x7: {  	s3 =	sadd.s32 $0x800, s8;
	s6 =	sand.u32 $0x3E0, s7;
	(pc) =	sbr.rel .LBB2_1-.Ltmp0, $4  }
0x8: {  	[sflag:s5] =	ssyncpa.u1 $0x0;
	s8 =	sadd.s32 $0x1000, s8;
	p0 =	sne.s32 s6, $0x0  }
0x9: {  	s7 =	sshrl.u32 s7, $0xA;
	s6 =	simm.s32 $0x2;
	s9 =	simm.s32 @!p0 $0x0  }
0xa: {  	s11 =	smov.u32 s2;
	[sflag:s6] =	ssyncpa.u1 $0x0;
	s7 =	sadd.s32 s9, s7  }
0xb: {  	vm0 =	vmmov $0xffff;
	[sflag:s10] =	ssyncpa.u1 $0x0;
	s10 =	simm.s32 $0x0;
	s9 =	sadd.s32 $0x1, s7  }
.LBB2_5:
0xc: {  	s15 =	sadd.s32 $0x400, s11  }
0xd: {  	p1 =	sgt.s32 s15, $0x7FF  }
0xe: {  	s15 =	smov.u32 @p1 s2;
	p1 =	sne.s32 s12, s9  }
.Ltmp1:
0xf: {  	p0 =	slt.u32 s12, $0x2;
	(pc) =	sbr.rel @!p1 .LBB2_6-.Ltmp1, $4  }
0x10: {  	s14 =	simm.s32 @!p0 $0x3  }
0x11: {  	_ =	swait.ge @!p0 [sflag:s14], $0x20  }
0x12: {  	s16 =	sadd.s32 $0x1, s12;
	s13 =	smov.u32 s11;
	[sflag:s14] =	ssyncset.done @!p0 $0x0  }
0x13: {  	s12 =	smov.u32 s16;
	s11 =	smov.u32 s15;
	[sflag:s14] =	ssyncadd.s32 @!p0 $0xFFFFFFE0  }
.LBB2_1:
0x14: {  	p0 =	sge.u32 s12, s7  }
0x15: {  	s14 =	sxor.u32 @!p0 $0xFFFFFFFF, s12  }
0x16: {  	s31 =	sadd.s32 $0xFFFFFFFF, s12;
	s15 =	sshrl.u32 @!p0 s11, $0x3;
	s14 =	sshll.u32 @!p0 s14, $0x5  }
0x17: {  	s16 =	sand.u32 @!p0 $0x7, s11;
	s15 =	sadd.s32 @!p0 s4, s15;
	s14 =	sand.u32 @!p0 $0x20, s14  }
0x18: {  	[tilespmem:s14], [sflag:$0x2] =	stream.linear.gather @!p0 [hbm4b:s15+s16], $0x20, $0x38;
	[tilespmem:$0x80] =	vst v63  }
0x19: {  	p0 =	sge.u32 s31, s7  }
.Ltmp2:
0x1a: {  	_ = 	snop;
	(pc) =	sbr.rel @p0 .LBB2_5-.Ltmp2, $1  }
0x1b: {  	_ =	sdelay $0x3  }
0x1c: {  	_ =	swait.ge [sflag:s6], $0x20;
	s14 =	sshll.u32 s12, $0x5;
	s16 =	simm.s32 $0x0  }
0x1d: {  	p0 =	por $0x1, $0x1;
	[sflag:s6] =	ssyncset.done $0x0;
	s15 =	sand.u32 $0x20, s14  }
0x1e: {  	[sflag:s6] =	ssyncadd.s32 $0xFFFFFFE0;
	(ifvalue) =	ssetifvalue $0x7FFFFFFF;
	s14 =	sor.u32 $0x40, s15  }
.LBB2_3:
0x1f: {  	s17 =	sadd.s32 s16, s15  }
0x20: {  	v0 =	vld.msk [tilespmem:s17+$0x0 ss:$0x1], $0xffff;
	_ =	sdelay $0x4  }
0x21: {  	v1 =	vshrl.u32 v0, $0x7;
	v2 =	vshll.u32 v0, $0x7  }
0x22: {  	vm1 =	veq.s32 v0, $0x80000000;
	v61 =	vand.u32 $0xF, v1;
	v62 =	vand.u32 $0x3F80, v2  }
0x23: {  	v0 =	vsel vm1, $0xFFFFFFFF, v61;
	v1 =	vsel vm1, $0xFFFFFF80, v62  }
0x24: {  	v63 =	vand.u32 $0xFFFFFC00, v1;
	v3 =	vand.u32 $0xFFFFFC00, v0  }
0x25: {  	v1 =	vand.u32 $0x380, v1;
	v2 =	vadd.s32 v3, v63  }
0x26: {  	v0 =	vand.u32 $0x7F, v0;
	v1 =	vor.u32 v1, v2  }
0x27: {  	p1 =	por p0, p0;
	v0 =	vor.u32 v0, v1  }
.Ltmp3:
0x28: {  	_ = 	snop;
	(pc) =	sbr.rel @p1 .LBB2_3-.Ltmp3, $4  }
0x29: {  	_ = 	snop  }
0x2a: {  	s31 =	sadd.s32 s16, s14  }
0x2b: {  	s16 =	simm.s32 $0x10;
	p0 =	por $0x0, $0x0;
	(ifvalue) =	ssetifvalue $0x7FFFFFFF  }
0x2c: {  	[tilespmem:s31], [sflag:$0x1] =	stream.indirect_vreg.gather [hbm4b:s3+s10], $0x1, v0, vm0, $0x4038;
	[tilespmem:$0x80] =	vst v63  }
.Ltmp4:
0x2d: {  	(pc) =	sbr.rel .LBB2_5-.Ltmp4, $4  }
0x2e: {  	_ =	swait.ge [sflag:s5], $0x20  }
0x2f: {  	s15 =	sshrl.u32 s13, $0x3;
	[sflag:s5] =	ssyncset.done $0x0  }
0x30: {  	s31 =	sand.u32 $0x7, s13;
	s15 =	sadd.s32 s8, s15;
	[sflag:s5] =	ssyncadd.s32 $0xFFFFFFE0  }
0x31: {  	[hbm4b:s15+s31] =	stream.linear.scatter [tilespmem:s14], [sflag:$0x3], $0x20, $0x38;
	[tilespmem:$0x80] =	vst v63  }
.LBB2_6:
0x32: {  	_ =	sfence.sel $0x180000  }
0x33: {  	s2 =	simm.s32 $0x2;
	[bflag:$0x0] =	sbarrier.arrive $0xFFFF  }
0x34: {  	s30 =	simm.s32 $0x3;
	[sflag:s2] =	ssyncpa.u1 $0x1  }
0x35: {  	s31 =	simm.s32 $0x1;
	[sflag:s30] =	ssyncpa.u1 $0x1  }
0x36: {  	[sflag:s31] =	ssyncpa.u1 $0x1  }
0x37: {  	p0 =	sne.s32 s0, $0x0;
	_ =	strace $0x90000047  }
0x38: {  	s0 =	sadd.s32 @!p0 $0x100000, s1;
	[bflag:$0x2] =	sbarrier.arrive $0xFFFF  }
0x39: {  	[sflag:s0] =	ssyncadd.tile.s32 @!p0 $0x1;
	_ =	shalt  }
.Lfunc_end2:
_tile_overlayer_lowered:
.L_overlay_start_2:
0x3a: {  	(tag) =	ssettag $0x2  }
0x3b: {  	s0 =	rddreg [dreg:$0x0];
	s2 =	stileid.u32  }
0x3c: {  	s1 =	rddreg [dreg:$0x1];
	p0 =	sne.s32 s2, $0x0  }
0x3d: {  	s3 =	rddreg [dreg:$0x2];
	[bflag:$0x3] =	sbarrier.arrive $0xFFFF;
	s2 =	simm.s32 @!p0 $0x1C01  }
0x3e: {  	[timem:s3], [sflag:s2] =	dma.local @!p0 [hbm:s0], s1  }
0x3f: {  	s0 =	simm.s32 @!p0 $0x1  }
0x40: {  	_ =	swait.ge @!p0 [sflag:s0], s1  }
0x41: {  	s1 =	ssub.s32 @!p0 $0x0, s1;
	[sflag:s0] =	ssyncset.done @!p0 $0x0  }
0x42: {  	[sflag:s0] =	ssyncadd.s32 @!p0 s1  }
0x43: {  	[bflag:$0x3] =	sbarrier.arrive $0xFFFF  }
0x44: {  	_ =	shalt  }

</sc_bundles>
